<compile_context>
chip_gen: v7x
topology: tpu7x:2x2x1
jax: 0.10.2.dev20260603
libtpu: 0.0.44.dev20260713+nightly
codegen_flags: <defaults>
</compile_context>

<pallas_src>
import functools

import numpy as np
import jax
import jax.numpy as jnp
from jax import lax
from jax.experimental import pallas as pl
from jax.experimental.pallas import tpu as pltpu
from jax.experimental.pallas import tpu_sc as plsc

_NEG_OV = 0.3
_POS_OV = 0.7
_STRIDE = 16
_LANES = 128


def _anchor_grid(rr, cc, stride):
    w = h = float(stride)
    x_ctr = 0.5 * (w - 1.0)
    y_ctr = 0.5 * (h - 1.0)
    size = w * h
    rows = []
    for r in (0.5, 1.0, 2.0):
        ws = np.round(np.sqrt(size / r))
        hs = np.round(ws * r)
        for s in (8, 16, 32):
            wss = ws * s
            hss = hs * s
            rows.append([x_ctr - 0.5 * (wss - 1.0), y_ctr - 0.5 * (hss - 1.0),
                         x_ctr + 0.5 * (wss - 1.0), y_ctr + 0.5 * (hss - 1.0)])
    base = np.array(rows, dtype=np.float32)
    sx = np.arange(cc, dtype=np.float32) * stride
    sy = np.arange(rr, dtype=np.float32) * stride
    mx, my = np.meshgrid(sx, sy)
    shifts = np.stack([mx.ravel(), my.ravel(), mx.ravel(), my.ravel()], axis=1)
    return (base[None, :, :] + shifts[:, None, :]).reshape(-1, 4).astype(np.float32)


def _iou_body(num_gt, sc_ref, anc_ref, labels_ref, idx_ref):
    ax1 = anc_ref[0]
    ay1 = anc_ref[1]
    ax2 = anc_ref[2]
    ay2 = anc_ref[3]
    area_a = (ax2 - ax1 + 1.0) * (ay2 - ay1 + 1.0)
    m0 = sc_ref[4, 0]
    m1 = sc_ref[4, 1]
    inside = (ax1 >= 0.0) & (ay1 >= 0.0) & (ax2 < m1) & (ay2 < m0)
    shape = ax1.shape
    neg1 = jnp.full(shape, -1.0, jnp.float32)
    zero = jnp.zeros(shape, jnp.float32)

    def step(g, c):
        best, bidx, anyeq = c
        gx1 = sc_ref[0, g]
        gy1 = sc_ref[1, g]
        gx2 = sc_ref[2, g]
        gy2 = sc_ref[3, g]
        iw = jnp.maximum(jnp.minimum(ax2, gx2) - jnp.maximum(ax1, gx1) + 1.0, 0.0)
        ih = jnp.maximum(jnp.minimum(ay2, gy2) - jnp.maximum(ay1, gy1) + 1.0, 0.0)
        inter = iw * ih
        area_g = (gx2 - gx1 + 1.0) * (gy2 - gy1 + 1.0)
        ov = inter / (area_a + area_g - inter)
        upd = ov > best
        best = jnp.where(upd, ov, best)
        bidx = jnp.where(upd, g, bidx)
        masked = jnp.where(inside, ov, neg1)
        gmax = jnp.max(masked)
        anyeq = jnp.maximum(anyeq, jnp.where(masked == gmax, 1.0, 0.0))
        return best, bidx, anyeq

    init = (neg1, jnp.zeros(shape, jnp.int32), zero)
    best, bidx, anyeq = lax.fori_loop(0, num_gt, step, init)

    labels = jnp.where(best < _NEG_OV, 0.0, -1.0)
    labels = jnp.where(anyeq > 0.0, 1.0, labels)
    labels = jnp.where(best >= _POS_OV, 1.0, labels)
    labels_ref[...] = jnp.where(inside, labels, -1.0)
    idx_ref[...] = bidx


def _sc_gather_body(bpw, gt_pad, idx_hbm, tx1, ty1, tx2, ty2, out_hbm,
                    idx_v, t0, t1, t2, t3, p0, p1, p2, p3):
    wid = lax.axis_index("s") * 2 + lax.axis_index("c")
    pltpu.sync_copy(idx_hbm.at[wid], idx_v)
    tables = (t0, t1, t2, t3)
    planes = (p0, p1, p2, p3)
    for c, t in enumerate((tx1, ty1, tx2, ty2)):
        pltpu.sync_copy(t, tables[c])

    def body(j, carry):
        j0 = j * 16
        idx16 = idx_v[pl.ds(j0, 16)]
        for c in range(4):
            acc = jnp.zeros((16,), jnp.float32)
            for t in range(gt_pad // 16):
                tv = tables[c][pl.ds(t * 16, 16)]
                local = idx16 - t * 16
                valid = (local >= 0) & (local < 16)
                safe = jnp.where(valid, local, 0)
                g = tv.at[safe].get(mode="promise_in_bounds")
                acc = jnp.where(valid, g, acc)
            planes[c][pl.ds(j0, 16)] = acc
        return carry

    lax.fori_loop(0, bpw // 16, body, 0)
    for c in range(4):
        pltpu.sync_copy(planes[c], out_hbm.at[c, wid])


def _transform_body(sc_ref, anc_ref, g_ref, targets_ref):
    ax1 = anc_ref[0]
    ay1 = anc_ref[1]
    ax2 = anc_ref[2]
    ay2 = anc_ref[3]
    m0 = sc_ref[4, 0]
    m1 = sc_ref[4, 1]
    inside = (ax1 >= 0.0) & (ay1 >= 0.0) & (ax2 < m1) & (ay2 < m0)
    bx1 = g_ref[0]
    by1 = g_ref[1]
    bx2 = g_ref[2]
    by2 = g_ref[3]
    ex_w = ax2 - ax1 + 1.0
    ex_h = ay2 - ay1 + 1.0
    ex_cx = ax1 + 0.5 * ex_w
    ex_cy = ay1 + 0.5 * ex_h
    gt_w = bx2 - bx1 + 1.0
    gt_h = by2 - by1 + 1.0
    gt_cx = bx1 + 0.5 * gt_w
    gt_cy = by1 + 0.5 * gt_h
    targets_ref[0] = jnp.where(inside, (gt_cx - ex_cx) / ex_w, 0.0)
    targets_ref[1] = jnp.where(inside, (gt_cy - ex_cy) / ex_h, 0.0)
    targets_ref[2] = jnp.where(inside, jnp.log(gt_w / ex_w), 0.0)
    targets_ref[3] = jnp.where(inside, jnp.log(gt_h / ex_h), 0.0)


def kernel(scores, gt_boxes, metadata):
    rr, cc = scores.shape[1], scores.shape[2]
    anchors = _anchor_grid(rr, cc, _STRIDE)
    n = anchors.shape[0]
    num_gt = gt_boxes.shape[1]
    assert num_gt <= _LANES and n % (_LANES * 32) == 0
    rows = n // _LANES
    anc_planes = jnp.asarray(anchors.T.reshape(4, rows, _LANES))
    scalars = (jnp.zeros((5, _LANES), jnp.float32)
               .at[:4, :num_gt].set(gt_boxes[0].T)
               .at[4, :3].set(metadata[0]))

    labels, idx = pl.pallas_call(
        functools.partial(_iou_body, num_gt),
        out_shape=[
            jax.ShapeDtypeStruct((rows, _LANES), jnp.float32),
            jax.ShapeDtypeStruct((rows, _LANES), jnp.int32),
        ],
        in_specs=[
            pl.BlockSpec(memory_space=pltpu.SMEM),
            pl.BlockSpec(memory_space=pltpu.VMEM),
        ],
    )(scalars, anc_planes)

    bpw = n // 32
    gt_pad = ((num_gt + 15) // 16) * 16
    sc_gather = functools.partial(
        pl.kernel,
        mesh=plsc.VectorSubcoreMesh(core_axis_name="c", subcore_axis_name="s"),
        out_type=jax.ShapeDtypeStruct((4, 32, bpw), jnp.float32),
        scratch_types=[
            pltpu.VMEM((bpw,), jnp.int32),
            pltpu.VMEM((gt_pad,), jnp.float32),
            pltpu.VMEM((gt_pad,), jnp.float32),
            pltpu.VMEM((gt_pad,), jnp.float32),
            pltpu.VMEM((gt_pad,), jnp.float32),
            pltpu.VMEM((bpw,), jnp.float32),
            pltpu.VMEM((bpw,), jnp.float32),
            pltpu.VMEM((bpw,), jnp.float32),
            pltpu.VMEM((bpw,), jnp.float32),
        ],
    )(functools.partial(_sc_gather_body, bpw, gt_pad))
    gt_cols = jnp.zeros((4, gt_pad), jnp.float32).at[:, :num_gt].set(gt_boxes[0].T)
    gathered = sc_gather(idx.reshape(32, bpw),
                         gt_cols[0], gt_cols[1], gt_cols[2], gt_cols[3])

    targets = pl.pallas_call(
        _transform_body,
        out_shape=jax.ShapeDtypeStruct((4, rows, _LANES), jnp.float32),
        in_specs=[
            pl.BlockSpec(memory_space=pltpu.SMEM),
            pl.BlockSpec(memory_space=pltpu.VMEM),
            pl.BlockSpec(memory_space=pltpu.VMEM),
        ],
    )(scalars, anc_planes, gathered.reshape(4, rows, _LANES))

    return labels.reshape(1, n), targets.reshape(4, n).T[None]

# --- scband reference (transcript-rebuilt; emitter-appended) ---
"""Pipeline reference for scband-anchor-target-40149354283769 (READ-ONLY COPY).

The authoritative reference and input builder live on the scoring server;
editing this copy changes nothing except your own understanding.
"""

import jax, jax.numpy as jnp
import numpy as np

ALLOWED_BORDER = 0.0
CLOBBER_POSITIVES = False
NEG_OV = 0.3
POS_OV = 0.7
STRIDE = 16


def _base_anchors(base_size=16, ratios=(0.5, 1.0, 2.0), scales=(8, 16, 32)):
    w = float(base_size)
    h = float(base_size)
    x_ctr = 0.5 * (w - 1.0)
    y_ctr = 0.5 * (h - 1.0)
    size = w * h
    out = []
    for r in ratios:
        ws = np.round(np.sqrt(size / r))
        hs = np.round(ws * r)
        for s in scales:
            wss = ws * s
            hss = hs * s
            out.append([x_ctr - 0.5 * (wss - 1.0), y_ctr - 0.5 * (hss - 1.0), x_ctr + 0.5 * (wss - 1.0), y_ctr + 0.5 * (hss - 1.0)])
    return np.array(out, dtype=np.float32)


def _shift(shape, stride):
    rr, cc = shape
    sx = np.arange(cc, dtype=np.float32) * stride
    sy = np.arange(rr, dtype=np.float32) * stride
    mx, my = np.meshgrid(sx, sy)
    shifts = np.stack([mx.ravel(), my.ravel(), mx.ravel(), my.ravel()], axis=1)
    base = _base_anchors(base_size=stride)
    A = base.shape[0]
    K = shifts.shape[0]
    return (base[None, :, :] + shifts[:, None, :]).reshape(K * A, 4).astype(np.float32)


def _overlaps(anchors, gt):
    ax1, ay1, ax2, ay2 = anchors[:, 0:1], anchors[:, 1:2], anchors[:, 2:3], anchors[:, 3:4]
    gx1, gy1, gx2, gy2 = gt[None, :, 0], gt[None, :, 1], gt[None, :, 2], gt[None, :, 3]
    iw = jnp.maximum(jnp.minimum(ax2, gx2) - jnp.maximum(ax1, gx1) + 1.0, 0.0)
    ih = jnp.maximum(jnp.minimum(ay2, gy2) - jnp.maximum(ay1, gy1) + 1.0, 0.0)
    inter = iw * ih
    area_a = (ax2 - ax1 + 1.0) * (ay2 - ay1 + 1.0)
    area_g = (gx2 - gx1 + 1.0) * (gy2 - gy1 + 1.0)
    return inter / (area_a + area_g - inter)


def _bbox_transform(ex, gt):
    ex_w = ex[:, 2] - ex[:, 0] + 1.0
    ex_h = ex[:, 3] - ex[:, 1] + 1.0
    ex_cx = ex[:, 0] + 0.5 * ex_w
    ex_cy = ex[:, 1] + 0.5 * ex_h
    gt_w = gt[:, 2] - gt[:, 0] + 1.0
    gt_h = gt[:, 3] - gt[:, 1] + 1.0
    gt_cx = gt[:, 0] + 0.5 * gt_w
    gt_cy = gt[:, 1] + 0.5 * gt_h
    dx = (gt_cx - ex_cx) / ex_w
    dy = (gt_cy - ex_cy) / ex_h
    dw = jnp.log(gt_w / ex_w)
    dh = jnp.log(gt_h / ex_h)
    return jnp.stack([dx, dy, dw, dh], axis=1)


def _label(gt, anchors, neg_ov, pos_ov, clobber, valid):
    overlaps = _overlaps(anchors, gt)
    masked = jnp.where(valid[:, None], overlaps, -1.0)
    argmax_inds = jnp.argmax(overlaps, axis=1)
    max_overlaps = jnp.take_along_axis(overlaps, argmax_inds[:, None], axis=1)[:, 0]
    gt_max = jnp.max(masked, axis=0)
    labels = jnp.full((anchors.shape[0],), -1.0, dtype=jnp.float32)
    if not clobber:
        labels = jnp.where(max_overlaps < neg_ov, 0.0, labels)
    gt_argmax_mask = jnp.any(masked == gt_max[None, :], axis=1)
    labels = jnp.where(gt_argmax_mask, 1.0, labels)
    labels = jnp.where(max_overlaps >= pos_ov, 1.0, labels)
    if clobber:
        labels = jnp.where(max_overlaps < neg_ov, 0.0, labels)
    return argmax_inds, labels


def setup_inputs(seed: int = 0):
    key = jax.random.key(seed)
    k1, k2, k3 = jax.random.split(key, 3)
    scores = jax.random.normal(k1, (1, 64, 64, 18), dtype=jnp.float32)
    xy = jax.random.uniform(k2, (100, 2), minval=0.0, maxval=900.0)
    wh = jax.random.uniform(k3, (100, 2), minval=16.0, maxval=120.0)
    gt_boxes = jnp.concatenate([xy, xy + wh], axis=1)[None, :, :].astype(jnp.float32)
    metadata = jnp.array([[1024.0, 1024.0, 1.0]], dtype=jnp.float32)
    return {"scores": scores, "gt_boxes": gt_boxes, "metadata": metadata}


def reference(scores, gt_boxes, metadata):
    meta = metadata[0, :]
    gt = gt_boxes[0]
    rr, cc, ch = scores.shape[1], scores.shape[2], scores.shape[3]
    total_anchors = rr * cc * ch // 2
    anchors_all = jnp.asarray(_shift((rr, cc), STRIDE))
    inside = ((anchors_all[:, 0] >= -ALLOWED_BORDER) & (anchors_all[:, 1] >= -ALLOWED_BORDER) & (anchors_all[:, 2] < meta[1] + ALLOWED_BORDER) & (anchors_all[:, 3] < meta[0] + ALLOWED_BORDER))
    argmax_inds, labels = _label(gt, anchors_all, NEG_OV, POS_OV, CLOBBER_POSITIVES, inside)
    gt_gathered = jnp.take(gt, argmax_inds, axis=0)
    targets = _bbox_transform(anchors_all, gt_gathered).reshape(-1, 4)
    labels_full = jnp.where(inside, labels, -1.0).astype(jnp.float32)
    targets_full = jnp.where(inside[:, None], targets, 0.0).astype(jnp.float32)
    return labels_full[None, :], targets_full[None, :, :]

if __name__ == "__main__":
    import jax
    _d = setup_inputs()
    print(jax.jit(kernel)(*tuple(_d.values())))

</pallas_src>

<mosaic_0001>
#map = affine_map<(d0, d1) -> (0, 0)>
#map1 = affine_map<(d0, d1) -> (0)>
#map2 = affine_map<(d0, d1) -> (0, 0, 0)>
module attributes {stable_mosaic.version = 14 : i64} {
  func.func @_sc_gather_body(%arg0: i32, %arg1: i32, %arg2: memref<32x1152xi32, #tpu.memory_space<hbm>>, %arg3: memref<112xf32, #tpu.memory_space<hbm>>, %arg4: memref<112xf32, #tpu.memory_space<hbm>>, %arg5: memref<112xf32, #tpu.memory_space<hbm>>, %arg6: memref<112xf32, #tpu.memory_space<hbm>>, %arg7: memref<4x32x1152xf32, #tpu.memory_space<hbm>>, %arg8: memref<1152xi32, #tpu.memory_space<vmem>>, %arg9: memref<112xf32, #tpu.memory_space<vmem>>, %arg10: memref<112xf32, #tpu.memory_space<vmem>>, %arg11: memref<112xf32, #tpu.memory_space<vmem>>, %arg12: memref<112xf32, #tpu.memory_space<vmem>>, %arg13: memref<1152xf32, #tpu.memory_space<vmem>>, %arg14: memref<1152xf32, #tpu.memory_space<vmem>>, %arg15: memref<1152xf32, #tpu.memory_space<vmem>>, %arg16: memref<1152xf32, #tpu.memory_space<vmem>>) attributes {dimension_semantics = [#tpu.dimension_semantics<core_parallel>, #tpu.dimension_semantics<subcore_parallel>], iteration_bounds = array<i64: 2, 16>, scalar_prefetch = 0 : i64, scratch_operands = 9 : i64, tpu.core_type = #tpu.core_type<sc_vector_subcore>, window_params = [{transform_indices = #map}, {transform_indices = #map1}, {transform_indices = #map1}, {transform_indices = #map1}, {transform_indices = #map1}, {transform_indices = #map2}]} {
    %mul3A = arith.constant 2 : i32
    %mul3A_0 = arith.muli %arg1, %mul3A : i32
    %add3A = arith.addi %mul3A_0, %arg0 : i32
    "tpu.region"() ({
      %run_scoped3A_9 = tpu.sem_alloc : memref<!tpu.dma_semaphore, #tpu.memory_space<semaphore_mem>>
      %dma_start3A = arith.constant 0 : i32
      %dma_start3A_10 = tpu.memref_slice %arg2[%add3A, %dma_start3A] : memref<32x1152xi32, #tpu.memory_space<hbm>> -> memref<1x1152xi32, #tpu.memory_space<hbm>>
      %dma_start3A_11 = tpu.memref_squeeze %dma_start3A_10 : memref<1x1152xi32, #tpu.memory_space<hbm>> -> memref<1152xi32, #tpu.memory_space<hbm>>
      %dma_start3A_12 = arith.constant 0 : i32
      %dma_start3A_13 = tpu.memref_slice %arg2[%add3A, %dma_start3A_12] : memref<32x1152xi32, #tpu.memory_space<hbm>> -> memref<1x1152xi32, #tpu.memory_space<hbm>>
      %dma_start3A_14 = tpu.memref_squeeze %dma_start3A_13 : memref<1x1152xi32, #tpu.memory_space<hbm>> -> memref<1152xi32, #tpu.memory_space<hbm>>
      tpu.enqueue_dma source(%dma_start3A_14 : memref<1152xi32, #tpu.memory_space<hbm>>) target(%arg8 : memref<1152xi32, #tpu.memory_space<vmem>>) target_semaphore(%run_scoped3A_9 : memref<!tpu.dma_semaphore, #tpu.memory_space<semaphore_mem>>)
      %dma_wait3A = arith.constant 0 : i32
      %dma_wait3A_15 = tpu.memref_slice %arg2[%add3A, %dma_wait3A] : memref<32x1152xi32, #tpu.memory_space<hbm>> -> memref<1x1152xi32, #tpu.memory_space<hbm>>
      %dma_wait3A_16 = tpu.memref_squeeze %dma_wait3A_15 : memref<1x1152xi32, #tpu.memory_space<hbm>> -> memref<1152xi32, #tpu.memory_space<hbm>>
      %dma_wait3A_17 = arith.constant 0 : i32
      %dma_wait3A_18 = tpu.memref_slice %arg2[%add3A, %dma_wait3A_17] : memref<32x1152xi32, #tpu.memory_space<hbm>> -> memref<1x1152xi32, #tpu.memory_space<hbm>>
      %dma_wait3A_19 = tpu.memref_squeeze %dma_wait3A_18 : memref<1x1152xi32, #tpu.memory_space<hbm>> -> memref<1152xi32, #tpu.memory_space<hbm>>
      tpu.wait_dma2 semaphore(%run_scoped3A_9 : memref<!tpu.dma_semaphore, #tpu.memory_space<semaphore_mem>>) src(%dma_wait3A_19 : memref<1152xi32, #tpu.memory_space<hbm>>) dst(%arg8 : memref<1152xi32, #tpu.memory_space<vmem>>)
      tpu.yield
    }) : () -> ()
    "tpu.region"() ({
      %run_scoped3A_9 = tpu.sem_alloc : memref<!tpu.dma_semaphore, #tpu.memory_space<semaphore_mem>>
      tpu.enqueue_dma source(%arg3 : memref<112xf32, #tpu.memory_space<hbm>>) target(%arg9 : memref<112xf32, #tpu.memory_space<vmem>>) target_semaphore(%run_scoped3A_9 : memref<!tpu.dma_semaphore, #tpu.memory_space<semaphore_mem>>)
      tpu.wait_dma2 semaphore(%run_scoped3A_9 : memref<!tpu.dma_semaphore, #tpu.memory_space<semaphore_mem>>) src(%arg3 : memref<112xf32, #tpu.memory_space<hbm>>) dst(%arg9 : memref<112xf32, #tpu.memory_space<vmem>>)
      tpu.yield
    }) : () -> ()
    "tpu.region"() ({
      %run_scoped3A_9 = tpu.sem_alloc : memref<!tpu.dma_semaphore, #tpu.memory_space<semaphore_mem>>
      tpu.enqueue_dma source(%arg4 : memref<112xf32, #tpu.memory_space<hbm>>) target(%arg10 : memref<112xf32, #tpu.memory_space<vmem>>) target_semaphore(%run_scoped3A_9 : memref<!tpu.dma_semaphore, #tpu.memory_space<semaphore_mem>>)
      tpu.wait_dma2 semaphore(%run_scoped3A_9 : memref<!tpu.dma_semaphore, #tpu.memory_space<semaphore_mem>>) src(%arg4 : memref<112xf32, #tpu.memory_space<hbm>>) dst(%arg10 : memref<112xf32, #tpu.memory_space<vmem>>)
      tpu.yield
    }) : () -> ()
    "tpu.region"() ({
      %run_scoped3A_9 = tpu.sem_alloc : memref<!tpu.dma_semaphore, #tpu.memory_space<semaphore_mem>>
      tpu.enqueue_dma source(%arg5 : memref<112xf32, #tpu.memory_space<hbm>>) target(%arg11 : memref<112xf32, #tpu.memory_space<vmem>>) target_semaphore(%run_scoped3A_9 : memref<!tpu.dma_semaphore, #tpu.memory_space<semaphore_mem>>)
      tpu.wait_dma2 semaphore(%run_scoped3A_9 : memref<!tpu.dma_semaphore, #tpu.memory_space<semaphore_mem>>) src(%arg5 : memref<112xf32, #tpu.memory_space<hbm>>) dst(%arg11 : memref<112xf32, #tpu.memory_space<vmem>>)
      tpu.yield
    }) : () -> ()
    "tpu.region"() ({
      %run_scoped3A_9 = tpu.sem_alloc : memref<!tpu.dma_semaphore, #tpu.memory_space<semaphore_mem>>
      tpu.enqueue_dma source(%arg6 : memref<112xf32, #tpu.memory_space<hbm>>) target(%arg12 : memref<112xf32, #tpu.memory_space<vmem>>) target_semaphore(%run_scoped3A_9 : memref<!tpu.dma_semaphore, #tpu.memory_space<semaphore_mem>>)
      tpu.wait_dma2 semaphore(%run_scoped3A_9 : memref<!tpu.dma_semaphore, #tpu.memory_space<semaphore_mem>>) src(%arg6 : memref<112xf32, #tpu.memory_space<hbm>>) dst(%arg12 : memref<112xf32, #tpu.memory_space<vmem>>)
      tpu.yield
    }) : () -> ()
    %scan3A = arith.constant 0 : i32
    %scan3A_1 = arith.constant 0 : i32
    %scan3A_2 = arith.constant 72 : i32
    %scan3A_3 = arith.addi %scan3A_1, %scan3A_2 : i32
    %scan3A_4 = arith.constant 1 : i32
    scf.for %scan3A_9 = %scan3A_1 to %scan3A_3 step %scan3A_4  : i32 {
      %mul3A_10 = arith.constant 16 : i32
      %mul3A_11 = arith.muli %scan3A_9, %mul3A_10 : i32
      %get3A = arith.index_cast %mul3A_11 : i32 to index
      %get3A_12 = tpu.vector_load %arg8[%get3A] {strides = array<i32>} : memref<1152xi32, #tpu.memory_space<vmem>>, vector<16xi32>,
      %get3A_13 = vector.shape_cast %get3A_12 : vector<16xi32> to vector<16xi32>
      %broadcast_in_dim3A = arith.constant 0.000000e+00 : f32
      %broadcast_in_dim3A_14 = vector.broadcast %broadcast_in_dim3A : f32 to vector<16xf32>
      %get3A_15 = arith.constant 0 : index
      %get3A_16 = tpu.vector_load %arg9[%get3A_15] {strides = array<i32>} : memref<112xf32, #tpu.memory_space<vmem>>, vector<16xf32>,
      %get3A_17 = vector.shape_cast %get3A_16 : vector<16xf32> to vector<16xf32>
      %sub3A = arith.constant 0 : i32
      %sub3A_18 = vector.broadcast %sub3A : i32 to vector<16xi32>
      %sub3A_19 = arith.subi %get3A_13, %sub3A_18 : vector<16xi32>
      %ge3A = arith.constant 0 : i32
      %ge3A_20 = vector.broadcast %ge3A : i32 to vector<16xi32>
      %ge3A_21 = arith.cmpi sge, %sub3A_19, %ge3A_20 : vector<16xi32>
      %lt3A = arith.constant 16 : i32
      %lt3A_22 = vector.broadcast %lt3A : i32 to vector<16xi32>
      %lt3A_23 = arith.cmpi slt, %sub3A_19, %lt3A_22 : vector<16xi32>
      %and3A = arith.andi %ge3A_21, %lt3A_23 : vector<16xi1>
      %jit3A = arith.constant 0 : i32
      %broadcast_in_dim3A_24 = vector.broadcast %jit3A : i32 to vector<16xi32>
      %select_n3A = arith.select %and3A, %sub3A_19, %broadcast_in_dim3A_24 : vector<16xi1>, vector<16xi32>
      %lt3A_25 = arith.constant 0 : i32
      %lt3A_26 = vector.broadcast %lt3A_25 : i32 to vector<16xi32>
      %lt3A_27 = arith.cmpi slt, %select_n3A, %lt3A_26 : vector<16xi32>
      %add3A_28 = arith.constant 16 : i32
      %add3A_29 = vector.broadcast %add3A_28 : i32 to vector<16xi32>
      %add3A_30 = arith.addi %select_n3A, %add3A_29 : vector<16xi32>
      %select_n3A_31 = arith.select %lt3A_27, %add3A_30, %select_n3A : vector<16xi1>, vector<16xi32>
      %broadcast_in_dim3A_32 = vector.shape_cast %select_n3A_31 : vector<16xi32> to vector<16x1xi32>
      %gather3A = vector.shape_cast %broadcast_in_dim3A_32 : vector<16x1xi32> to vector<16xi32>
      %gather3A_33 = tpu.dynamic_gather %get3A_17[%gather3A] in [0] : vector<16xf32>, vector<16xi32> -> vector<16xf32>
      %select_n3A_34 = arith.select %and3A, %gather3A_33, %broadcast_in_dim3A_14 : vector<16xi1>, vector<16xf32>
      %get3A_35 = arith.constant 16 : index
      %get3A_36 = tpu.vector_load %arg9[%get3A_35] {strides = array<i32>} : memref<112xf32, #tpu.memory_space<vmem>>, vector<16xf32>,
      %get3A_37 = vector.shape_cast %get3A_36 : vector<16xf32> to vector<16xf32>
      %sub3A_38 = arith.constant 16 : i32
      %sub3A_39 = vector.broadcast %sub3A_38 : i32 to vector<16xi32>
      %sub3A_40 = arith.subi %get3A_13, %sub3A_39 : vector<16xi32>
      %ge3A_41 = arith.constant 0 : i32
      %ge3A_42 = vector.broadcast %ge3A_41 : i32 to vector<16xi32>
      %ge3A_43 = arith.cmpi sge, %sub3A_40, %ge3A_42 : vector<16xi32>
      %lt3A_44 = arith.constant 16 : i32
      %lt3A_45 = vector.broadcast %lt3A_44 : i32 to vector<16xi32>
      %lt3A_46 = arith.cmpi slt, %sub3A_40, %lt3A_45 : vector<16xi32>
      %and3A_47 = arith.andi %ge3A_43, %lt3A_46 : vector<16xi1>
      %jit3A_48 = arith.constant 0 : i32
      %broadcast_in_dim3A_49 = vector.broadcast %jit3A_48 : i32 to vector<16xi32>
      %select_n3A_50 = arith.select %and3A_47, %sub3A_40, %broadcast_in_dim3A_49 : vector<16xi1>, vector<16xi32>
      %lt3A_51 = arith.constant 0 : i32
      %lt3A_52 = vector.broadcast %lt3A_51 : i32 to vector<16xi32>
      %lt3A_53 = arith.cmpi slt, %select_n3A_50, %lt3A_52 : vector<16xi32>
      %add3A_54 = arith.constant 16 : i32
      %add3A_55 = vector.broadcast %add3A_54 : i32 to vector<16xi32>
      %add3A_56 = arith.addi %select_n3A_50, %add3A_55 : vector<16xi32>
      %select_n3A_57 = arith.select %lt3A_53, %add3A_56, %select_n3A_50 : vector<16xi1>, vector<16xi32>
      %broadcast_in_dim3A_58 = vector.shape_cast %select_n3A_57 : vector<16xi32> to vector<16x1xi32>
      %gather3A_59 = vector.shape_cast %broadcast_in_dim3A_58 : vector<16x1xi32> to vector<16xi32>
      %gather3A_60 = tpu.dynamic_gather %get3A_37[%gather3A_59] in [0] : vector<16xf32>, vector<16xi32> -> vector<16xf32>
      %select_n3A_61 = arith.select %and3A_47, %gather3A_60, %select_n3A_34 : vector<16xi1>, vector<16xf32>
      %get3A_62 = arith.constant 32 : index
      %get3A_63 = tpu.vector_load %arg9[%get3A_62] {strides = array<i32>} : memref<112xf32, #tpu.memory_space<vmem>>, vector<16xf32>,
      %get3A_64 = vector.shape_cast %get3A_63 : vector<16xf32> to vector<16xf32>
      %sub3A_65 = arith.constant 32 : i32
      %sub3A_66 = vector.broadcast %sub3A_65 : i32 to vector<16xi32>
      %sub3A_67 = arith.subi %get3A_13, %sub3A_66 : vector<16xi32>
      %ge3A_68 = arith.constant 0 : i32
      %ge3A_69 = vector.broadcast %ge3A_68 : i32 to vector<16xi32>
      %ge3A_70 = arith.cmpi sge, %sub3A_67, %ge3A_69 : vector<16xi32>
      %lt3A_71 = arith.constant 16 : i32
      %lt3A_72 = vector.broadcast %lt3A_71 : i32 to vector<16xi32>
      %lt3A_73 = arith.cmpi slt, %sub3A_67, %lt3A_72 : vector<16xi32>
      %and3A_74 = arith.andi %ge3A_70, %lt3A_73 : vector<16xi1>
      %jit3A_75 = arith.constant 0 : i32
      %broadcast_in_dim3A_76 = vector.broadcast %jit3A_75 : i32 to vector<16xi32>
      %select_n3A_77 = arith.select %and3A_74, %sub3A_67, %broadcast_in_dim3A_76 : vector<16xi1>, vector<16xi32>
      %lt3A_78 = arith.constant 0 : i32
      %lt3A_79 = vector.broadcast %lt3A_78 : i32 to vector<16xi32>
      %lt3A_80 = arith.cmpi slt, %select_n3A_77, %lt3A_79 : vector<16xi32>
      %add3A_81 = arith.constant 16 : i32
      %add3A_82 = vector.broadcast %add3A_81 : i32 to vector<16xi32>
      %add3A_83 = arith.addi %select_n3A_77, %add3A_82 : vector<16xi32>
      %select_n3A_84 = arith.select %lt3A_80, %add3A_83, %select_n3A_77 : vector<16xi1>, vector<16xi32>
      %broadcast_in_dim3A_85 = vector.shape_cast %select_n3A_84 : vector<16xi32> to vector<16x1xi32>
      %gather3A_86 = vector.shape_cast %broadcast_in_dim3A_85 : vector<16x1xi32> to vector<16xi32>
      %gather3A_87 = tpu.dynamic_gather %get3A_64[%gather3A_86] in [0] : vector<16xf32>, vector<16xi32> -> vector<16xf32>
      %select_n3A_88 = arith.select %and3A_74, %gather3A_87, %select_n3A_61 : vector<16xi1>, vector<16xf32>
      %get3A_89 = arith.constant 48 : index
      %get3A_90 = tpu.vector_load %arg9[%get3A_89] {strides = array<i32>} : memref<112xf32, #tpu.memory_space<vmem>>, vector<16xf32>,
      %get3A_91 = vector.shape_cast %get3A_90 : vector<16xf32> to vector<16xf32>
      %sub3A_92 = arith.constant 48 : i32
      %sub3A_93 = vector.broadcast %sub3A_92 : i32 to vector<16xi32>
      %sub3A_94 = arith.subi %get3A_13, %sub3A_93 : vector<16xi32>
      %ge3A_95 = arith.constant 0 : i32
      %ge3A_96 = vector.broadcast %ge3A_95 : i32 to vector<16xi32>
      %ge3A_97 = arith.cmpi sge, %sub3A_94, %ge3A_96 : vector<16xi32>
      %lt3A_98 = arith.constant 16 : i32
      %lt3A_99 = vector.broadcast %lt3A_98 : i32 to vector<16xi32>
      %lt3A_100 = arith.cmpi slt, %sub3A_94, %lt3A_99 : vector<16xi32>
      %and3A_101 = arith.andi %ge3A_97, %lt3A_100 : vector<16xi1>
      %jit3A_102 = arith.constant 0 : i32
      %broadcast_in_dim3A_103 = vector.broadcast %jit3A_102 : i32 to vector<16xi32>
      %select_n3A_104 = arith.select %and3A_101, %sub3A_94, %broadcast_in_dim3A_103 : vector<16xi1>, vector<16xi32>
      %lt3A_105 = arith.constant 0 : i32
      %lt3A_106 = vector.broadcast %lt3A_105 : i32 to vector<16xi32>
      %lt3A_107 = arith.cmpi slt, %select_n3A_104, %lt3A_106 : vector<16xi32>
      %add3A_108 = arith.constant 16 : i32
      %add3A_109 = vector.broadcast %add3A_108 : i32 to vector<16xi32>
      %add3A_110 = arith.addi %select_n3A_104, %add3A_109 : vector<16xi32>
      %select_n3A_111 = arith.select %lt3A_107, %add3A_110, %select_n3A_104 : vector<16xi1>, vector<16xi32>
      %broadcast_in_dim3A_112 = vector.shape_cast %select_n3A_111 : vector<16xi32> to vector<16x1xi32>
      %gather3A_113 = vector.shape_cast %broadcast_in_dim3A_112 : vector<16x1xi32> to vector<16xi32>
      %gather3A_114 = tpu.dynamic_gather %get3A_91[%gather3A_113] in [0] : vector<16xf32>, vector<16xi32> -> vector<16xf32>
      %select_n3A_115 = arith.select %and3A_101, %gather3A_114, %select_n3A_88 : vector<16xi1>, vector<16xf32>
      %get3A_116 = arith.constant 64 : index
      %get3A_117 = tpu.vector_load %arg9[%get3A_116] {strides = array<i32>} : memref<112xf32, #tpu.memory_space<vmem>>, vector<16xf32>,
      %get3A_118 = vector.shape_cast %get3A_117 : vector<16xf32> to vector<16xf32>
      %sub3A_119 = arith.constant 64 : i32
      %sub3A_120 = vector.broadcast %sub3A_119 : i32 to vector<16xi32>
      %sub3A_121 = arith.subi %get3A_13, %sub3A_120 : vector<16xi32>
      %ge3A_122 = arith.constant 0 : i32
      %ge3A_123 = vector.broadcast %ge3A_122 : i32 to vector<16xi32>
      %ge3A_124 = arith.cmpi sge, %sub3A_121, %ge3A_123 : vector<16xi32>
      %lt3A_125 = arith.constant 16 : i32
      %lt3A_126 = vector.broadcast %lt3A_125 : i32 to vector<16xi32>
      %lt3A_127 = arith.cmpi slt, %sub3A_121, %lt3A_126 : vector<16xi32>
      %and3A_128 = arith.andi %ge3A_124, %lt3A_127 : vector<16xi1>
      %jit3A_129 = arith.constant 0 : i32
      %broadcast_in_dim3A_130 = vector.broadcast %jit3A_129 : i32 to vector<16xi32>
      %select_n3A_131 = arith.select %and3A_128, %sub3A_121, %broadcast_in_dim3A_130 : vector<16xi1>, vector<16xi32>
      %lt3A_132 = arith.constant 0 : i32
      %lt3A_133 = vector.broadcast %lt3A_132 : i32 to vector<16xi32>
      %lt3A_134 = arith.cmpi slt, %select_n3A_131, %lt3A_133 : vector<16xi32>
      %add3A_135 = arith.constant 16 : i32
      %add3A_136 = vector.broadcast %add3A_135 : i32 to vector<16xi32>
      %add3A_137 = arith.addi %select_n3A_131, %add3A_136 : vector<16xi32>
      %select_n3A_138 = arith.select %lt3A_134, %add3A_137, %select_n3A_131 : vector<16xi1>, vector<16xi32>
      %broadcast_in_dim3A_139 = vector.shape_cast %select_n3A_138 : vector<16xi32> to vector<16x1xi32>
      %gather3A_140 = vector.shape_cast %broadcast_in_dim3A_139 : vector<16x1xi32> to vector<16xi32>
      %gather3A_141 = tpu.dynamic_gather %get3A_118[%gather3A_140] in [0] : vector<16xf32>, vector<16xi32> -> vector<16xf32>
      %select_n3A_142 = arith.select %and3A_128, %gather3A_141, %select_n3A_115 : vector<16xi1>, vector<16xf32>
      %get3A_143 = arith.constant 80 : index
      %get3A_144 = tpu.vector_load %arg9[%get3A_143] {strides = array<i32>} : memref<112xf32, #tpu.memory_space<vmem>>, vector<16xf32>,
      %get3A_145 = vector.shape_cast %get3A_144 : vector<16xf32> to vector<16xf32>
      %sub3A_146 = arith.constant 80 : i32
      %sub3A_147 = vector.broadcast %sub3A_146 : i32 to vector<16xi32>
      %sub3A_148 = arith.subi %get3A_13, %sub3A_147 : vector<16xi32>
      %ge3A_149 = arith.constant 0 : i32
      %ge3A_150 = vector.broadcast %ge3A_149 : i32 to vector<16xi32>
      %ge3A_151 = arith.cmpi sge, %sub3A_148, %ge3A_150 : vector<16xi32>
      %lt3A_152 = arith.constant 16 : i32
      %lt3A_153 = vector.broadcast %lt3A_152 : i32 to vector<16xi32>
      %lt3A_154 = arith.cmpi slt, %sub3A_148, %lt3A_153 : vector<16xi32>
      %and3A_155 = arith.andi %ge3A_151, %lt3A_154 : vector<16xi1>
      %jit3A_156 = arith.constant 0 : i32
      %broadcast_in_dim3A_157 = vector.broadcast %jit3A_156 : i32 to vector<16xi32>
      %select_n3A_158 = arith.select %and3A_155, %sub3A_148, %broadcast_in_dim3A_157 : vector<16xi1>, vector<16xi32>
      %lt3A_159 = arith.constant 0 : i32
      %lt3A_160 = vector.broadcast %lt3A_159 : i32 to vector<16xi32>
      %lt3A_161 = arith.cmpi slt, %select_n3A_158, %lt3A_160 : vector<16xi32>
      %add3A_162 = arith.constant 16 : i32
      %add3A_163 = vector.broadcast %add3A_162 : i32 to vector<16xi32>
      %add3A_164 = arith.addi %select_n3A_158, %add3A_163 : vector<16xi32>
      %select_n3A_165 = arith.select %lt3A_161, %add3A_164, %select_n3A_158 : vector<16xi1>, vector<16xi32>
      %broadcast_in_dim3A_166 = vector.shape_cast %select_n3A_165 : vector<16xi32> to vector<16x1xi32>
      %gather3A_167 = vector.shape_cast %broadcast_in_dim3A_166 : vector<16x1xi32> to vector<16xi32>
      %gather3A_168 = tpu.dynamic_gather %get3A_145[%gather3A_167] in [0] : vector<16xf32>, vector<16xi32> -> vector<16xf32>
      %select_n3A_169 = arith.select %and3A_155, %gather3A_168, %select_n3A_142 : vector<16xi1>, vector<16xf32>
      %get3A_170 = arith.constant 96 : index
      %get3A_171 = tpu.vector_load %arg9[%get3A_170] {strides = array<i32>} : memref<112xf32, #tpu.memory_space<vmem>>, vector<16xf32>,
      %get3A_172 = vector.shape_cast %get3A_171 : vector<16xf32> to vector<16xf32>
      %sub3A_173 = arith.constant 96 : i32
      %sub3A_174 = vector.broadcast %sub3A_173 : i32 to vector<16xi32>
      %sub3A_175 = arith.subi %get3A_13, %sub3A_174 : vector<16xi32>
      %ge3A_176 = arith.constant 0 : i32
      %ge3A_177 = vector.broadcast %ge3A_176 : i32 to vector<16xi32>
      %ge3A_178 = arith.cmpi sge, %sub3A_175, %ge3A_177 : vector<16xi32>
      %lt3A_179 = arith.constant 16 : i32
      %lt3A_180 = vector.broadcast %lt3A_179 : i32 to vector<16xi32>
      %lt3A_181 = arith.cmpi slt, %sub3A_175, %lt3A_180 : vector<16xi32>
      %and3A_182 = arith.andi %ge3A_178, %lt3A_181 : vector<16xi1>
      %jit3A_183 = arith.constant 0 : i32
      %broadcast_in_dim3A_184 = vector.broadcast %jit3A_183 : i32 to vector<16xi32>
      %select_n3A_185 = arith.select %and3A_182, %sub3A_175, %broadcast_in_dim3A_184 : vector<16xi1>, vector<16xi32>
      %lt3A_186 = arith.constant 0 : i32
      %lt3A_187 = vector.broadcast %lt3A_186 : i32 to vector<16xi32>
      %lt3A_188 = arith.cmpi slt, %select_n3A_185, %lt3A_187 : vector<16xi32>
      %add3A_189 = arith.constant 16 : i32
      %add3A_190 = vector.broadcast %add3A_189 : i32 to vector<16xi32>
      %add3A_191 = arith.addi %select_n3A_185, %add3A_190 : vector<16xi32>
      %select_n3A_192 = arith.select %lt3A_188, %add3A_191, %select_n3A_185 : vector<16xi1>, vector<16xi32>
      %broadcast_in_dim3A_193 = vector.shape_cast %select_n3A_192 : vector<16xi32> to vector<16x1xi32>
      %gather3A_194 = vector.shape_cast %broadcast_in_dim3A_193 : vector<16x1xi32> to vector<16xi32>
      %gather3A_195 = tpu.dynamic_gather %get3A_172[%gather3A_194] in [0] : vector<16xf32>, vector<16xi32> -> vector<16xf32>
      %select_n3A_196 = arith.select %and3A_182, %gather3A_195, %select_n3A_169 : vector<16xi1>, vector<16xf32>
      %swap3A = arith.index_cast %mul3A_11 : i32 to index
      %swap3A_197 = tpu.vector_load %arg13[%swap3A] {strides = array<i32>} : memref<1152xf32, #tpu.memory_space<vmem>>, vector<16xf32>,
      %swap3A_198 = vector.shape_cast %swap3A_197 : vector<16xf32> to vector<16xf32>
      %swap3A_199 = vector.shape_cast %select_n3A_196 : vector<16xf32> to vector<16xf32>
      tpu.vector_store %arg13[%swap3A], %swap3A_199 {strides = array<i32>} : memref<1152xf32, #tpu.memory_space<vmem>>, vector<16xf32>,
      %broadcast_in_dim3A_200 = arith.constant 0.000000e+00 : f32
      %broadcast_in_dim3A_201 = vector.broadcast %broadcast_in_dim3A_200 : f32 to vector<16xf32>
      %get3A_202 = arith.constant 0 : index
      %get3A_203 = tpu.vector_load %arg10[%get3A_202] {strides = array<i32>} : memref<112xf32, #tpu.memory_space<vmem>>, vector<16xf32>,
      %get3A_204 = vector.shape_cast %get3A_203 : vector<16xf32> to vector<16xf32>
      %sub3A_205 = arith.constant 0 : i32
      %sub3A_206 = vector.broadcast %sub3A_205 : i32 to vector<16xi32>
      %sub3A_207 = arith.subi %get3A_13, %sub3A_206 : vector<16xi32>
      %ge3A_208 = arith.constant 0 : i32
      %ge3A_209 = vector.broadcast %ge3A_208 : i32 to vector<16xi32>
      %ge3A_210 = arith.cmpi sge, %sub3A_207, %ge3A_209 : vector<16xi32>
      %lt3A_211 = arith.constant 16 : i32
      %lt3A_212 = vector.broadcast %lt3A_211 : i32 to vector<16xi32>
      %lt3A_213 = arith.cmpi slt, %sub3A_207, %lt3A_212 : vector<16xi32>
      %and3A_214 = arith.andi %ge3A_210, %lt3A_213 : vector<16xi1>
      %jit3A_215 = arith.constant 0 : i32
      %broadcast_in_dim3A_216 = vector.broadcast %jit3A_215 : i32 to vector<16xi32>
      %select_n3A_217 = arith.select %and3A_214, %sub3A_207, %broadcast_in_dim3A_216 : vector<16xi1>, vector<16xi32>
      %lt3A_218 = arith.constant 0 : i32
      %lt3A_219 = vector.broadcast %lt3A_218 : i32 to vector<16xi32>
      %lt3A_220 = arith.cmpi slt, %select_n3A_217, %lt3A_219 : vector<16xi32>
      %add3A_221 = arith.constant 16 : i32
      %add3A_222 = vector.broadcast %add3A_221 : i32 to vector<16xi32>
      %add3A_223 = arith.addi %select_n3A_217, %add3A_222 : vector<16xi32>
      %select_n3A_224 = arith.select %lt3A_220, %add3A_223, %select_n3A_217 : vector<16xi1>, vector<16xi32>
      %broadcast_in_dim3A_225 = vector.shape_cast %select_n3A_224 : vector<16xi32> to vector<16x1xi32>
      %gather3A_226 = vector.shape_cast %broadcast_in_dim3A_225 : vector<16x1xi32> to vector<16xi32>
      %gather3A_227 = tpu.dynamic_gather %get3A_204[%gather3A_226] in [0] : vector<16xf32>, vector<16xi32> -> vector<16xf32>
      %select_n3A_228 = arith.select %and3A_214, %gather3A_227, %broadcast_in_dim3A_201 : vector<16xi1>, vector<16xf32>
      %get3A_229 = arith.constant 16 : index
      %get3A_230 = tpu.vector_load %arg10[%get3A_229] {strides = array<i32>} : memref<112xf32, #tpu.memory_space<vmem>>, vector<16xf32>,
      %get3A_231 = vector.shape_cast %get3A_230 : vector<16xf32> to vector<16xf32>
      %sub3A_232 = arith.constant 16 : i32
      %sub3A_233 = vector.broadcast %sub3A_232 : i32 to vector<16xi32>
      %sub3A_234 = arith.subi %get3A_13, %sub3A_233 : vector<16xi32>
      %ge3A_235 = arith.constant 0 : i32
      %ge3A_236 = vector.broadcast %ge3A_235 : i32 to vector<16xi32>
      %ge3A_237 = arith.cmpi sge, %sub3A_234, %ge3A_236 : vector<16xi32>
      %lt3A_238 = arith.constant 16 : i32
      %lt3A_239 = vector.broadcast %lt3A_238 : i32 to vector<16xi32>
      %lt3A_240 = arith.cmpi slt, %sub3A_234, %lt3A_239 : vector<16xi32>
      %and3A_241 = arith.andi %ge3A_237, %lt3A_240 : vector<16xi1>
      %jit3A_242 = arith.constant 0 : i32
      %broadcast_in_dim3A_243 = vector.broadcast %jit3A_242 : i32 to vector<16xi32>
      %select_n3A_244 = arith.select %and3A_241, %sub3A_234, %broadcast_in_dim3A_243 : vector<16xi1>, vector<16xi32>
      %lt3A_245 = arith.constant 0 : i32
      %lt3A_246 = vector.broadcast %lt3A_245 : i32 to vector<16xi32>
      %lt3A_247 = arith.cmpi slt, %select_n3A_244, %lt3A_246 : vector<16xi32>
      %add3A_248 = arith.constant 16 : i32
      %add3A_249 = vector.broadcast %add3A_248 : i32 to vector<16xi32>
      %add3A_250 = arith.addi %select_n3A_244, %add3A_249 : vector<16xi32>
      %select_n3A_251 = arith.select %lt3A_247, %add3A_250, %select_n3A_244 : vector<16xi1>, vector<16xi32>
      %broadcast_in_dim3A_252 = vector.shape_cast %select_n3A_251 : vector<16xi32> to vector<16x1xi32>
      %gather3A_253 = vector.shape_cast %broadcast_in_dim3A_252 : vector<16x1xi32> to vector<16xi32>
      %gather3A_254 = tpu.dynamic_gather %get3A_231[%gather3A_253] in [0] : vector<16xf32>, vector<16xi32> -> vector<16xf32>
      %select_n3A_255 = arith.select %and3A_241, %gather3A_254, %select_n3A_228 : vector<16xi1>, vector<16xf32>
      %get3A_256 = arith.constant 32 : index
      %get3A_257 = tpu.vector_load %arg10[%get3A_256] {strides = array<i32>} : memref<112xf32, #tpu.memory_space<vmem>>, vector<16xf32>,
      %get3A_258 = vector.shape_cast %get3A_257 : vector<16xf32> to vector<16xf32>
      %sub3A_259 = arith.constant 32 : i32
      %sub3A_260 = vector.broadcast %sub3A_259 : i32 to vector<16xi32>
      %sub3A_261 = arith.subi %get3A_13, %sub3A_260 : vector<16xi32>
      %ge3A_262 = arith.constant 0 : i32
      %ge3A_263 = vector.broadcast %ge3A_262 : i32 to vector<16xi32>
      %ge3A_264 = arith.cmpi sge, %sub3A_261, %ge3A_263 : vector<16xi32>
      %lt3A_265 = arith.constant 16 : i32
      %lt3A_266 = vector.broadcast %lt3A_265 : i32 to vector<16xi32>
      %lt3A_267 = arith.cmpi slt, %sub3A_261, %lt3A_266 : vector<16xi32>
      %and3A_268 = arith.andi %ge3A_264, %lt3A_267 : vector<16xi1>
      %jit3A_269 = arith.constant 0 : i32
      %broadcast_in_dim3A_270 = vector.broadcast %jit3A_269 : i32 to vector<16xi32>
      %select_n3A_271 = arith.select %and3A_268, %sub3A_261, %broadcast_in_dim3A_270 : vector<16xi1>, vector<16xi32>
      %lt3A_272 = arith.constant 0 : i32
      %lt3A_273 = vector.broadcast %lt3A_272 : i32 to vector<16xi32>
      %lt3A_274 = arith.cmpi slt, %select_n3A_271, %lt3A_273 : vector<16xi32>
      %add3A_275 = arith.constant 16 : i32
      %add3A_276 = vector.broadcast %add3A_275 : i32 to vector<16xi32>
      %add3A_277 = arith.addi %select_n3A_271, %add3A_276 : vector<16xi32>
      %select_n3A_278 = arith.select %lt3A_274, %add3A_277, %select_n3A_271 : vector<16xi1>, vector<16xi32>
      %broadcast_in_dim3A_279 = vector.shape_cast %select_n3A_278 : vector<16xi32> to vector<16x1xi32>
      %gather3A_280 = vector.shape_cast %broadcast_in_dim3A_279 : vector<16x1xi32> to vector<16xi32>
      %gather3A_281 = tpu.dynamic_gather %get3A_258[%gather3A_280] in [0] : vector<16xf32>, vector<16xi32> -> vector<16xf32>
      %select_n3A_282 = arith.select %and3A_268, %gather3A_281, %select_n3A_255 : vector<16xi1>, vector<16xf32>
      %get3A_283 = arith.constant 48 : index
      %get3A_284 = tpu.vector_load %arg10[%get3A_283] {strides = array<i32>} : memref<112xf32, #tpu.memory_space<vmem>>, vector<16xf32>,
      %get3A_285 = vector.shape_cast %get3A_284 : vector<16xf32> to vector<16xf32>
      %sub3A_286 = arith.constant 48 : i32
      %sub3A_287 = vector.broadcast %sub3A_286 : i32 to vector<16xi32>
      %sub3A_288 = arith.subi %get3A_13, %sub3A_287 : vector<16xi32>
      %ge3A_289 = arith.constant 0 : i32
      %ge3A_290 = vector.broadcast %ge3A_289 : i32 to vector<16xi32>
      %ge3A_291 = arith.cmpi sge, %sub3A_288, %ge3A_290 : vector<16xi32>
      %lt3A_292 = arith.constant 16 : i32
      %lt3A_293 = vector.broadcast %lt3A_292 : i32 to vector<16xi32>
      %lt3A_294 = arith.cmpi slt, %sub3A_288, %lt3A_293 : vector<16xi32>
      %and3A_295 = arith.andi %ge3A_291, %lt3A_294 : vector<16xi1>
      %jit3A_296 = arith.constant 0 : i32
      %broadcast_in_dim3A_297 = vector.broadcast %jit3A_296 : i32 to vector<16xi32>
      %select_n3A_298 = arith.select %and3A_295, %sub3A_288, %broadcast_in_dim3A_297 : vector<16xi1>, vector<16xi32>
      %lt3A_299 = arith.constant 0 : i32
      %lt3A_300 = vector.broadcast %lt3A_299 : i32 to vector<16xi32>
      %lt3A_301 = arith.cmpi slt, %select_n3A_298, %lt3A_300 : vector<16xi32>
      %add3A_302 = arith.constant 16 : i32
      %add3A_303 = vector.broadcast %add3A_302 : i32 to vector<16xi32>
      %add3A_304 = arith.addi %select_n3A_298, %add3A_303 : vector<16xi32>
      %select_n3A_305 = arith.select %lt3A_301, %add3A_304, %select_n3A_298 : vector<16xi1>, vector<16xi32>
      %broadcast_in_dim3A_306 = vector.shape_cast %select_n3A_305 : vector<16xi32> to vector<16x1xi32>
      %gather3A_307 = vector.shape_cast %broadcast_in_dim3A_306 : vector<16x1xi32> to vector<16xi32>
      %gather3A_308 = tpu.dynamic_gather %get3A_285[%gather3A_307] in [0] : vector<16xf32>, vector<16xi32> -> vector<16xf32>
      %select_n3A_309 = arith.select %and3A_295, %gather3A_308, %select_n3A_282 : vector<16xi1>, vector<16xf32>
      %get3A_310 = arith.constant 64 : index
      %get3A_311 = tpu.vector_load %arg10[%get3A_310] {strides = array<i32>} : memref<112xf32, #tpu.memory_space<vmem>>, vector<16xf32>,
      %get3A_312 = vector.shape_cast %get3A_311 : vector<16xf32> to vector<16xf32>
      %sub3A_313 = arith.constant 64 : i32
      %sub3A_314 = vector.broadcast %sub3A_313 : i32 to vector<16xi32>
      %sub3A_315 = arith.subi %get3A_13, %sub3A_314 : vector<16xi32>
      %ge3A_316 = arith.constant 0 : i32
      %ge3A_317 = vector.broadcast %ge3A_316 : i32 to vector<16xi32>
      %ge3A_318 = arith.cmpi sge, %sub3A_315, %ge3A_317 : vector<16xi32>
      %lt3A_319 = arith.constant 16 : i32
      %lt3A_320 = vector.broadcast %lt3A_319 : i32 to vector<16xi32>
      %lt3A_321 = arith.cmpi slt, %sub3A_315, %lt3A_320 : vector<16xi32>
      %and3A_322 = arith.andi %ge3A_318, %lt3A_321 : vector<16xi1>
      %jit3A_323 = arith.constant 0 : i32
      %broadcast_in_dim3A_324 = vector.broadcast %jit3A_323 : i32 to vector<16xi32>
      %select_n3A_325 = arith.select %and3A_322, %sub3A_315, %broadcast_in_dim3A_324 : vector<16xi1>, vector<16xi32>
      %lt3A_326 = arith.constant 0 : i32
      %lt3A_327 = vector.broadcast %lt3A_326 : i32 to vector<16xi32>
      %lt3A_328 = arith.cmpi slt, %select_n3A_325, %lt3A_327 : vector<16xi32>
      %add3A_329 = arith.constant 16 : i32
      %add3A_330 = vector.broadcast %add3A_329 : i32 to vector<16xi32>
      %add3A_331 = arith.addi %select_n3A_325, %add3A_330 : vector<16xi32>
      %select_n3A_332 = arith.select %lt3A_328, %add3A_331, %select_n3A_325 : vector<16xi1>, vector<16xi32>
      %broadcast_in_dim3A_333 = vector.shape_cast %select_n3A_332 : vector<16xi32> to vector<16x1xi32>
      %gather3A_334 = vector.shape_cast %broadcast_in_dim3A_333 : vector<16x1xi32> to vector<16xi32>
      %gather3A_335 = tpu.dynamic_gather %get3A_312[%gather3A_334] in [0] : vector<16xf32>, vector<16xi32> -> vector<16xf32>
      %select_n3A_336 = arith.select %and3A_322, %gather3A_335, %select_n3A_309 : vector<16xi1>, vector<16xf32>
      %get3A_337 = arith.constant 80 : index
      %get3A_338 = tpu.vector_load %arg10[%get3A_337] {strides = array<i32>} : memref<112xf32, #tpu.memory_space<vmem>>, vector<16xf32>,
      %get3A_339 = vector.shape_cast %get3A_338 : vector<16xf32> to vector<16xf32>
      %sub3A_340 = arith.constant 80 : i32
      %sub3A_341 = vector.broadcast %sub3A_340 : i32 to vector<16xi32>
      %sub3A_342 = arith.subi %get3A_13, %sub3A_341 : vector<16xi32>
      %ge3A_343 = arith.constant 0 : i32
      %ge3A_344 = vector.broadcast %ge3A_343 : i32 to vector<16xi32>
      %ge3A_345 = arith.cmpi sge, %sub3A_342, %ge3A_344 : vector<16xi32>
      %lt3A_346 = arith.constant 16 : i32
      %lt3A_347 = vector.broadcast %lt3A_346 : i32 to vector<16xi32>
      %lt3A_348 = arith.cmpi slt, %sub3A_342, %lt3A_347 : vector<16xi32>
      %and3A_349 = arith.andi %ge3A_345, %lt3A_348 : vector<16xi1>
      %jit3A_350 = arith.constant 0 : i32
      %broadcast_in_dim3A_351 = vector.broadcast %jit3A_350 : i32 to vector<16xi32>
      %select_n3A_352 = arith.select %and3A_349, %sub3A_342, %broadcast_in_dim3A_351 : vector<16xi1>, vector<16xi32>
      %lt3A_353 = arith.constant 0 : i32
      %lt3A_354 = vector.broadcast %lt3A_353 : i32 to vector<16xi32>
      %lt3A_355 = arith.cmpi slt, %select_n3A_352, %lt3A_354 : vector<16xi32>
      %add3A_356 = arith.constant 16 : i32
      %add3A_357 = vector.broadcast %add3A_356 : i32 to vector<16xi32>
      %add3A_358 = arith.addi %select_n3A_352, %add3A_357 : vector<16xi32>
      %select_n3A_359 = arith.select %lt3A_355, %add3A_358, %select_n3A_352 : vector<16xi1>, vector<16xi32>
      %broadcast_in_dim3A_360 = vector.shape_cast %select_n3A_359 : vector<16xi32> to vector<16x1xi32>
      %gather3A_361 = vector.shape_cast %broadcast_in_dim3A_360 : vector<16x1xi32> to vector<16xi32>
      %gather3A_362 = tpu.dynamic_gather %get3A_339[%gather3A_361] in [0] : vector<16xf32>, vector<16xi32> -> vector<16xf32>
      %select_n3A_363 = arith.select %and3A_349, %gather3A_362, %select_n3A_336 : vector<16xi1>, vector<16xf32>
      %get3A_364 = arith.constant 96 : index
      %get3A_365 = tpu.vector_load %arg10[%get3A_364] {strides = array<i32>} : memref<112xf32, #tpu.memory_space<vmem>>, vector<16xf32>,
      %get3A_366 = vector.shape_cast %get3A_365 : vector<16xf32> to vector<16xf32>
      %sub3A_367 = arith.constant 96 : i32
      %sub3A_368 = vector.broadcast %sub3A_367 : i32 to vector<16xi32>
      %sub3A_369 = arith.subi %get3A_13, %sub3A_368 : vector<16xi32>
      %ge3A_370 = arith.constant 0 : i32
      %ge3A_371 = vector.broadcast %ge3A_370 : i32 to vector<16xi32>
      %ge3A_372 = arith.cmpi sge, %sub3A_369, %ge3A_371 : vector<16xi32>
      %lt3A_373 = arith.constant 16 : i32
      %lt3A_374 = vector.broadcast %lt3A_373 : i32 to vector<16xi32>
      %lt3A_375 = arith.cmpi slt, %sub3A_369, %lt3A_374 : vector<16xi32>
      %and3A_376 = arith.andi %ge3A_372, %lt3A_375 : vector<16xi1>
      %jit3A_377 = arith.constant 0 : i32
      %broadcast_in_dim3A_378 = vector.broadcast %jit3A_377 : i32 to vector<16xi32>
      %select_n3A_379 = arith.select %and3A_376, %sub3A_369, %broadcast_in_dim3A_378 : vector<16xi1>, vector<16xi32>
      %lt3A_380 = arith.constant 0 : i32
      %lt3A_381 = vector.broadcast %lt3A_380 : i32 to vector<16xi32>
      %lt3A_382 = arith.cmpi slt, %select_n3A_379, %lt3A_381 : vector<16xi32>
      %add3A_383 = arith.constant 16 : i32
      %add3A_384 = vector.broadcast %add3A_383 : i32 to vector<16xi32>
      %add3A_385 = arith.addi %select_n3A_379, %add3A_384 : vector<16xi32>
      %select_n3A_386 = arith.select %lt3A_382, %add3A_385, %select_n3A_379 : vector<16xi1>, vector<16xi32>
      %broadcast_in_dim3A_387 = vector.shape_cast %select_n3A_386 : vector<16xi32> to vector<16x1xi32>
      %gather3A_388 = vector.shape_cast %broadcast_in_dim3A_387 : vector<16x1xi32> to vector<16xi32>
      %gather3A_389 = tpu.dynamic_gather %get3A_366[%gather3A_388] in [0] : vector<16xf32>, vector<16xi32> -> vector<16xf32>
      %select_n3A_390 = arith.select %and3A_376, %gather3A_389, %select_n3A_363 : vector<16xi1>, vector<16xf32>
      %swap3A_391 = arith.index_cast %mul3A_11 : i32 to index
      %swap3A_392 = tpu.vector_load %arg14[%swap3A_391] {strides = array<i32>} : memref<1152xf32, #tpu.memory_space<vmem>>, vector<16xf32>,
      %swap3A_393 = vector.shape_cast %swap3A_392 : vector<16xf32> to vector<16xf32>
      %swap3A_394 = vector.shape_cast %select_n3A_390 : vector<16xf32> to vector<16xf32>
      tpu.vector_store %arg14[%swap3A_391], %swap3A_394 {strides = array<i32>} : memref<1152xf32, #tpu.memory_space<vmem>>, vector<16xf32>,
      %broadcast_in_dim3A_395 = arith.constant 0.000000e+00 : f32
      %broadcast_in_dim3A_396 = vector.broadcast %broadcast_in_dim3A_395 : f32 to vector<16xf32>
      %get3A_397 = arith.constant 0 : index
      %get3A_398 = tpu.vector_load %arg11[%get3A_397] {strides = array<i32>} : memref<112xf32, #tpu.memory_space<vmem>>, vector<16xf32>,
      %get3A_399 = vector.shape_cast %get3A_398 : vector<16xf32> to vector<16xf32>
      %sub3A_400 = arith.constant 0 : i32
      %sub3A_401 = vector.broadcast %sub3A_400 : i32 to vector<16xi32>
      %sub3A_402 = arith.subi %get3A_13, %sub3A_401 : vector<16xi32>
      %ge3A_403 = arith.constant 0 : i32
      %ge3A_404 = vector.broadcast %ge3A_403 : i32 to vector<16xi32>
      %ge3A_405 = arith.cmpi sge, %sub3A_402, %ge3A_404 : vector<16xi32>
      %lt3A_406 = arith.constant 16 : i32
      %lt3A_407 = vector.broadcast %lt3A_406 : i32 to vector<16xi32>
      %lt3A_408 = arith.cmpi slt, %sub3A_402, %lt3A_407 : vector<16xi32>
      %and3A_409 = arith.andi %ge3A_405, %lt3A_408 : vector<16xi1>
      %jit3A_410 = arith.constant 0 : i32
      %broadcast_in_dim3A_411 = vector.broadcast %jit3A_410 : i32 to vector<16xi32>
      %select_n3A_412 = arith.select %and3A_409, %sub3A_402, %broadcast_in_dim3A_411 : vector<16xi1>, vector<16xi32>
      %lt3A_413 = arith.constant 0 : i32
      %lt3A_414 = vector.broadcast %lt3A_413 : i32 to vector<16xi32>
      %lt3A_415 = arith.cmpi slt, %select_n3A_412, %lt3A_414 : vector<16xi32>
      %add3A_416 = arith.constant 16 : i32
      %add3A_417 = vector.broadcast %add3A_416 : i32 to vector<16xi32>
      %add3A_418 = arith.addi %select_n3A_412, %add3A_417 : vector<16xi32>
      %select_n3A_419 = arith.select %lt3A_415, %add3A_418, %select_n3A_412 : vector<16xi1>, vector<16xi32>
      %broadcast_in_dim3A_420 = vector.shape_cast %select_n3A_419 : vector<16xi32> to vector<16x1xi32>
      %gather3A_421 = vector.shape_cast %broadcast_in_dim3A_420 : vector<16x1xi32> to vector<16xi32>
      %gather3A_422 = tpu.dynamic_gather %get3A_399[%gather3A_421] in [0] : vector<16xf32>, vector<16xi32> -> vector<16xf32>
      %select_n3A_423 = arith.select %and3A_409, %gather3A_422, %broadcast_in_dim3A_396 : vector<16xi1>, vector<16xf32>
      %get3A_424 = arith.constant 16 : index
      %get3A_425 = tpu.vector_load %arg11[%get3A_424] {strides = array<i32>} : memref<112xf32, #tpu.memory_space<vmem>>, vector<16xf32>,
      %get3A_426 = vector.shape_cast %get3A_425 : vector<16xf32> to vector<16xf32>
      %sub3A_427 = arith.constant 16 : i32
      %sub3A_428 = vector.broadcast %sub3A_427 : i32 to vector<16xi32>
      %sub3A_429 = arith.subi %get3A_13, %sub3A_428 : vector<16xi32>
      %ge3A_430 = arith.constant 0 : i32
      %ge3A_431 = vector.broadcast %ge3A_430 : i32 to vector<16xi32>
      %ge3A_432 = arith.cmpi sge, %sub3A_429, %ge3A_431 : vector<16xi32>
      %lt3A_433 = arith.constant 16 : i32
      %lt3A_434 = vector.broadcast %lt3A_433 : i32 to vector<16xi32>
      %lt3A_435 = arith.cmpi slt, %sub3A_429, %lt3A_434 : vector<16xi32>
      %and3A_436 = arith.andi %ge3A_432, %lt3A_435 : vector<16xi1>
      %jit3A_437 = arith.constant 0 : i32
      %broadcast_in_dim3A_438 = vector.broadcast %jit3A_437 : i32 to vector<16xi32>
      %select_n3A_439 = arith.select %and3A_436, %sub3A_429, %broadcast_in_dim3A_438 : vector<16xi1>, vector<16xi32>
      %lt3A_440 = arith.constant 0 : i32
      %lt3A_441 = vector.broadcast %lt3A_440 : i32 to vector<16xi32>
      %lt3A_442 = arith.cmpi slt, %select_n3A_439, %lt3A_441 : vector<16xi32>
      %add3A_443 = arith.constant 16 : i32
      %add3A_444 = vector.broadcast %add3A_443 : i32 to vector<16xi32>
      %add3A_445 = arith.addi %select_n3A_439, %add3A_444 : vector<16xi32>
      %select_n3A_446 = arith.select %lt3A_442, %add3A_445, %select_n3A_439 : vector<16xi1>, vector<16xi32>
      %broadcast_in_dim3A_447 = vector.shape_cast %select_n3A_446 : vector<16xi32> to vector<16x1xi32>
      %gather3A_448 = vector.shape_cast %broadcast_in_dim3A_447 : vector<16x1xi32> to vector<16xi32>
      %gather3A_449 = tpu.dynamic_gather %get3A_426[%gather3A_448] in [0] : vector<16xf32>, vector<16xi32> -> vector<16xf32>
      %select_n3A_450 = arith.select %and3A_436, %gather3A_449, %select_n3A_423 : vector<16xi1>, vector<16xf32>
      %get3A_451 = arith.constant 32 : index
      %get3A_452 = tpu.vector_load %arg11[%get3A_451] {strides = array<i32>} : memref<112xf32, #tpu.memory_space<vmem>>, vector<16xf32>,
      %get3A_453 = vector.shape_cast %get3A_452 : vector<16xf32> to vector<16xf32>
      %sub3A_454 = arith.constant 32 : i32
      %sub3A_455 = vector.broadcast %sub3A_454 : i32 to vector<16xi32>
      %sub3A_456 = arith.subi %get3A_13, %sub3A_455 : vector<16xi32>
      %ge3A_457 = arith.constant 0 : i32
      %ge3A_458 = vector.broadcast %ge3A_457 : i32 to vector<16xi32>
      %ge3A_459 = arith.cmpi sge, %sub3A_456, %ge3A_458 : vector<16xi32>
      %lt3A_460 = arith.constant 16 : i32
      %lt3A_461 = vector.broadcast %lt3A_460 : i32 to vector<16xi32>
      %lt3A_462 = arith.cmpi slt, %sub3A_456, %lt3A_461 : vector<16xi32>
      %and3A_463 = arith.andi %ge3A_459, %lt3A_462 : vector<16xi1>
      %jit3A_464 = arith.constant 0 : i32
      %broadcast_in_dim3A_465 = vector.broadcast %jit3A_464 : i32 to vector<16xi32>
      %select_n3A_466 = arith.select %and3A_463, %sub3A_456, %broadcast_in_dim3A_465 : vector<16xi1>, vector<16xi32>
      %lt3A_467 = arith.constant 0 : i32
      %lt3A_468 = vector.broadcast %lt3A_467 : i32 to vector<16xi32>
      %lt3A_469 = arith.cmpi slt, %select_n3A_466, %lt3A_468 : vector<16xi32>
      %add3A_470 = arith.constant 16 : i32
      %add3A_471 = vector.broadcast %add3A_470 : i32 to vector<16xi32>
      %add3A_472 = arith.addi %select_n3A_466, %add3A_471 : vector<16xi32>
      %select_n3A_473 = arith.select %lt3A_469, %add3A_472, %select_n3A_466 : vector<16xi1>, vector<16xi32>
      %broadcast_in_dim3A_474 = vector.shape_cast %select_n3A_473 : vector<16xi32> to vector<16x1xi32>
      %gather3A_475 = vector.shape_cast %broadcast_in_dim3A_474 : vector<16x1xi32> to vector<16xi32>
      %gather3A_476 = tpu.dynamic_gather %get3A_453[%gather3A_475] in [0] : vector<16xf32>, vector<16xi32> -> vector<16xf32>
      %select_n3A_477 = arith.select %and3A_463, %gather3A_476, %select_n3A_450 : vector<16xi1>, vector<16xf32>
      %get3A_478 = arith.constant 48 : index
      %get3A_479 = tpu.vector_load %arg11[%get3A_478] {strides = array<i32>} : memref<112xf32, #tpu.memory_space<vmem>>, vector<16xf32>,
      %get3A_480 = vector.shape_cast %get3A_479 : vector<16xf32> to vector<16xf32>
      %sub3A_481 = arith.constant 48 : i32
      %sub3A_482 = vector.broadcast %sub3A_481 : i32 to vector<16xi32>
      %sub3A_483 = arith.subi %get3A_13, %sub3A_482 : vector<16xi32>
      %ge3A_484 = arith.constant 0 : i32
      %ge3A_485 = vector.broadcast %ge3A_484 : i32 to vector<16xi32>
      %ge3A_486 = arith.cmpi sge, %sub3A_483, %ge3A_485 : vector<16xi32>
      %lt3A_487 = arith.constant 16 : i32
      %lt3A_488 = vector.broadcast %lt3A_487 : i32 to vector<16xi32>
      %lt3A_489 = arith.cmpi slt, %sub3A_483, %lt3A_488 : vector<16xi32>
      %and3A_490 = arith.andi %ge3A_486, %lt3A_489 : vector<16xi1>
      %jit3A_491 = arith.constant 0 : i32
      %broadcast_in_dim3A_492 = vector.broadcast %jit3A_491 : i32 to vector<16xi32>
      %select_n3A_493 = arith.select %and3A_490, %sub3A_483, %broadcast_in_dim3A_492 : vector<16xi1>, vector<16xi32>
      %lt3A_494 = arith.constant 0 : i32
      %lt3A_495 = vector.broadcast %lt3A_494 : i32 to vector<16xi32>
      %lt3A_496 = arith.cmpi slt, %select_n3A_493, %lt3A_495 : vector<16xi32>
      %add3A_497 = arith.constant 16 : i32
      %add3A_498 = vector.broadcast %add3A_497 : i32 to vector<16xi32>
      %add3A_499 = arith.addi %select_n3A_493, %add3A_498 : vector<16xi32>
      %select_n3A_500 = arith.select %lt3A_496, %add3A_499, %select_n3A_493 : vector<16xi1>, vector<16xi32>
      %broadcast_in_dim3A_501 = vector.shape_cast %select_n3A_500 : vector<16xi32> to vector<16x1xi32>
      %gather3A_502 = vector.shape_cast %broadcast_in_dim3A_501 : vector<16x1xi32> to vector<16xi32>
      %gather3A_503 = tpu.dynamic_gather %get3A_480[%gather3A_502] in [0] : vector<16xf32>, vector<16xi32> -> vector<16xf32>
      %select_n3A_504 = arith.select %and3A_490, %gather3A_503, %select_n3A_477 : vector<16xi1>, vector<16xf32>
      %get3A_505 = arith.constant 64 : index
      %get3A_506 = tpu.vector_load %arg11[%get3A_505] {strides = array<i32>} : memref<112xf32, #tpu.memory_space<vmem>>, vector<16xf32>,
      %get3A_507 = vector.shape_cast %get3A_506 : vector<16xf32> to vector<16xf32>
      %sub3A_508 = arith.constant 64 : i32
      %sub3A_509 = vector.broadcast %sub3A_508 : i32 to vector<16xi32>
      %sub3A_510 = arith.subi %get3A_13, %sub3A_509 : vector<16xi32>
      %ge3A_511 = arith.constant 0 : i32
      %ge3A_512 = vector.broadcast %ge3A_511 : i32 to vector<16xi32>
      %ge3A_513 = arith.cmpi sge, %sub3A_510, %ge3A_512 : vector<16xi32>
      %lt3A_514 = arith.constant 16 : i32
      %lt3A_515 = vector.broadcast %lt3A_514 : i32 to vector<16xi32>
      %lt3A_516 = arith.cmpi slt, %sub3A_510, %lt3A_515 : vector<16xi32>
      %and3A_517 = arith.andi %ge3A_513, %lt3A_516 : vector<16xi1>
      %jit3A_518 = arith.constant 0 : i32
      %broadcast_in_dim3A_519 = vector.broadcast %jit3A_518 : i32 to vector<16xi32>
      %select_n3A_520 = arith.select %and3A_517, %sub3A_510, %broadcast_in_dim3A_519 : vector<16xi1>, vector<16xi32>
      %lt3A_521 = arith.constant 0 : i32
      %lt3A_522 = vector.broadcast %lt3A_521 : i32 to vector<16xi32>
      %lt3A_523 = arith.cmpi slt, %select_n3A_520, %lt3A_522 : vector<16xi32>
      %add3A_524 = arith.constant 16 : i32
      %add3A_525 = vector.broadcast %add3A_524 : i32 to vector<16xi32>
      %add3A_526 = arith.addi %select_n3A_520, %add3A_525 : vector<16xi32>
      %select_n3A_527 = arith.select %lt3A_523, %add3A_526, %select_n3A_520 : vector<16xi1>, vector<16xi32>
      %broadcast_in_dim3A_528 = vector.shape_cast %select_n3A_527 : vector<16xi32> to vector<16x1xi32>
      %gather3A_529 = vector.shape_cast %broadcast_in_dim3A_528 : vector<16x1xi32> to vector<16xi32>
      %gather3A_530 = tpu.dynamic_gather %get3A_507[%gather3A_529] in [0] : vector<16xf32>, vector<16xi32> -> vector<16xf32>
      %select_n3A_531 = arith.select %and3A_517, %gather3A_530, %select_n3A_504 : vector<16xi1>, vector<16xf32>
      %get3A_532 = arith.constant 80 : index
      %get3A_533 = tpu.vector_load %arg11[%get3A_532] {strides = array<i32>} : memref<112xf32, #tpu.memory_space<vmem>>, vector<16xf32>,
      %get3A_534 = vector.shape_cast %get3A_533 : vector<16xf32> to vector<16xf32>
      %sub3A_535 = arith.constant 80 : i32
      %sub3A_536 = vector.broadcast %sub3A_535 : i32 to vector<16xi32>
      %sub3A_537 = arith.subi %get3A_13, %sub3A_536 : vector<16xi32>
      %ge3A_538 = arith.constant 0 : i32
      %ge3A_539 = vector.broadcast %ge3A_538 : i32 to vector<16xi32>
      %ge3A_540 = arith.cmpi sge, %sub3A_537, %ge3A_539 : vector<16xi32>
      %lt3A_541 = arith.constant 16 : i32
      %lt3A_542 = vector.broadcast %lt3A_541 : i32 to vector<16xi32>
      %lt3A_543 = arith.cmpi slt, %sub3A_537, %lt3A_542 : vector<16xi32>
      %and3A_544 = arith.andi %ge3A_540, %lt3A_543 : vector<16xi1>
      %jit3A_545 = arith.constant 0 : i32
      %broadcast_in_dim3A_546 = vector.broadcast %jit3A_545 : i32 to vector<16xi32>
      %select_n3A_547 = arith.select %and3A_544, %sub3A_537, %broadcast_in_dim3A_546 : vector<16xi1>, vector<16xi32>
      %lt3A_548 = arith.constant 0 : i32
      %lt3A_549 = vector.broadcast %lt3A_548 : i32 to vector<16xi32>
      %lt3A_550 = arith.cmpi slt, %select_n3A_547, %lt3A_549 : vector<16xi32>
      %add3A_551 = arith.constant 16 : i32
      %add3A_552 = vector.broadcast %add3A_551 : i32 to vector<16xi32>
      %add3A_553 = arith.addi %select_n3A_547, %add3A_552 : vector<16xi32>
      %select_n3A_554 = arith.select %lt3A_550, %add3A_553, %select_n3A_547 : vector<16xi1>, vector<16xi32>
      %broadcast_in_dim3A_555 = vector.shape_cast %select_n3A_554 : vector<16xi32> to vector<16x1xi32>
      %gather3A_556 = vector.shape_cast %broadcast_in_dim3A_555 : vector<16x1xi32> to vector<16xi32>
      %gather3A_557 = tpu.dynamic_gather %get3A_534[%gather3A_556] in [0] : vector<16xf32>, vector<16xi32> -> vector<16xf32>
      %select_n3A_558 = arith.select %and3A_544, %gather3A_557, %select_n3A_531 : vector<16xi1>, vector<16xf32>
      %get3A_559 = arith.constant 96 : index
      %get3A_560 = tpu.vector_load %arg11[%get3A_559] {strides = array<i32>} : memref<112xf32, #tpu.memory_space<vmem>>, vector<16xf32>,
      %get3A_561 = vector.shape_cast %get3A_560 : vector<16xf32> to vector<16xf32>
      %sub3A_562 = arith.constant 96 : i32
      %sub3A_563 = vector.broadcast %sub3A_562 : i32 to vector<16xi32>
      %sub3A_564 = arith.subi %get3A_13, %sub3A_563 : vector<16xi32>
      %ge3A_565 = arith.constant 0 : i32
      %ge3A_566 = vector.broadcast %ge3A_565 : i32 to vector<16xi32>
      %ge3A_567 = arith.cmpi sge, %sub3A_564, %ge3A_566 : vector<16xi32>
      %lt3A_568 = arith.constant 16 : i32
      %lt3A_569 = vector.broadcast %lt3A_568 : i32 to vector<16xi32>
      %lt3A_570 = arith.cmpi slt, %sub3A_564, %lt3A_569 : vector<16xi32>
      %and3A_571 = arith.andi %ge3A_567, %lt3A_570 : vector<16xi1>
      %jit3A_572 = arith.constant 0 : i32
      %broadcast_in_dim3A_573 = vector.broadcast %jit3A_572 : i32 to vector<16xi32>
      %select_n3A_574 = arith.select %and3A_571, %sub3A_564, %broadcast_in_dim3A_573 : vector<16xi1>, vector<16xi32>
      %lt3A_575 = arith.constant 0 : i32
      %lt3A_576 = vector.broadcast %lt3A_575 : i32 to vector<16xi32>
      %lt3A_577 = arith.cmpi slt, %select_n3A_574, %lt3A_576 : vector<16xi32>
      %add3A_578 = arith.constant 16 : i32
      %add3A_579 = vector.broadcast %add3A_578 : i32 to vector<16xi32>
      %add3A_580 = arith.addi %select_n3A_574, %add3A_579 : vector<16xi32>
      %select_n3A_581 = arith.select %lt3A_577, %add3A_580, %select_n3A_574 : vector<16xi1>, vector<16xi32>
      %broadcast_in_dim3A_582 = vector.shape_cast %select_n3A_581 : vector<16xi32> to vector<16x1xi32>
      %gather3A_583 = vector.shape_cast %broadcast_in_dim3A_582 : vector<16x1xi32> to vector<16xi32>
      %gather3A_584 = tpu.dynamic_gather %get3A_561[%gather3A_583] in [0] : vector<16xf32>, vector<16xi32> -> vector<16xf32>
      %select_n3A_585 = arith.select %and3A_571, %gather3A_584, %select_n3A_558 : vector<16xi1>, vector<16xf32>
      %swap3A_586 = arith.index_cast %mul3A_11 : i32 to index
      %swap3A_587 = tpu.vector_load %arg15[%swap3A_586] {strides = array<i32>} : memref<1152xf32, #tpu.memory_space<vmem>>, vector<16xf32>,
      %swap3A_588 = vector.shape_cast %swap3A_587 : vector<16xf32> to vector<16xf32>
      %swap3A_589 = vector.shape_cast %select_n3A_585 : vector<16xf32> to vector<16xf32>
      tpu.vector_store %arg15[%swap3A_586], %swap3A_589 {strides = array<i32>} : memref<1152xf32, #tpu.memory_space<vmem>>, vector<16xf32>,
      %broadcast_in_dim3A_590 = arith.constant 0.000000e+00 : f32
      %broadcast_in_dim3A_591 = vector.broadcast %broadcast_in_dim3A_590 : f32 to vector<16xf32>
      %get3A_592 = arith.constant 0 : index
      %get3A_593 = tpu.vector_load %arg12[%get3A_592] {strides = array<i32>} : memref<112xf32, #tpu.memory_space<vmem>>, vector<16xf32>,
      %get3A_594 = vector.shape_cast %get3A_593 : vector<16xf32> to vector<16xf32>
      %sub3A_595 = arith.constant 0 : i32
      %sub3A_596 = vector.broadcast %sub3A_595 : i32 to vector<16xi32>
      %sub3A_597 = arith.subi %get3A_13, %sub3A_596 : vector<16xi32>
      %ge3A_598 = arith.constant 0 : i32
      %ge3A_599 = vector.broadcast %ge3A_598 : i32 to vector<16xi32>
      %ge3A_600 = arith.cmpi sge, %sub3A_597, %ge3A_599 : vector<16xi32>
      %lt3A_601 = arith.constant 16 : i32
      %lt3A_602 = vector.broadcast %lt3A_601 : i32 to vector<16xi32>
      %lt3A_603 = arith.cmpi slt, %sub3A_597, %lt3A_602 : vector<16xi32>
      %and3A_604 = arith.andi %ge3A_600, %lt3A_603 : vector<16xi1>
      %jit3A_605 = arith.constant 0 : i32
      %broadcast_in_dim3A_606 = vector.broadcast %jit3A_605 : i32 to vector<16xi32>
      %select_n3A_607 = arith.select %and3A_604, %sub3A_597, %broadcast_in_dim3A_606 : vector<16xi1>, vector<16xi32>
      %lt3A_608 = arith.constant 0 : i32
      %lt3A_609 = vector.broadcast %lt3A_608 : i32 to vector<16xi32>
      %lt3A_610 = arith.cmpi slt, %select_n3A_607, %lt3A_609 : vector<16xi32>
      %add3A_611 = arith.constant 16 : i32
      %add3A_612 = vector.broadcast %add3A_611 : i32 to vector<16xi32>
      %add3A_613 = arith.addi %select_n3A_607, %add3A_612 : vector<16xi32>
      %select_n3A_614 = arith.select %lt3A_610, %add3A_613, %select_n3A_607 : vector<16xi1>, vector<16xi32>
      %broadcast_in_dim3A_615 = vector.shape_cast %select_n3A_614 : vector<16xi32> to vector<16x1xi32>
      %gather3A_616 = vector.shape_cast %broadcast_in_dim3A_615 : vector<16x1xi32> to vector<16xi32>
      %gather3A_617 = tpu.dynamic_gather %get3A_594[%gather3A_616] in [0] : vector<16xf32>, vector<16xi32> -> vector<16xf32>
      %select_n3A_618 = arith.select %and3A_604, %gather3A_617, %broadcast_in_dim3A_591 : vector<16xi1>, vector<16xf32>
      %get3A_619 = arith.constant 16 : index
      %get3A_620 = tpu.vector_load %arg12[%get3A_619] {strides = array<i32>} : memref<112xf32, #tpu.memory_space<vmem>>, vector<16xf32>,
      %get3A_621 = vector.shape_cast %get3A_620 : vector<16xf32> to vector<16xf32>
      %sub3A_622 = arith.constant 16 : i32
      %sub3A_623 = vector.broadcast %sub3A_622 : i32 to vector<16xi32>
      %sub3A_624 = arith.subi %get3A_13, %sub3A_623 : vector<16xi32>
      %ge3A_625 = arith.constant 0 : i32
      %ge3A_626 = vector.broadcast %ge3A_625 : i32 to vector<16xi32>
      %ge3A_627 = arith.cmpi sge, %sub3A_624, %ge3A_626 : vector<16xi32>
      %lt3A_628 = arith.constant 16 : i32
      %lt3A_629 = vector.broadcast %lt3A_628 : i32 to vector<16xi32>
      %lt3A_630 = arith.cmpi slt, %sub3A_624, %lt3A_629 : vector<16xi32>
      %and3A_631 = arith.andi %ge3A_627, %lt3A_630 : vector<16xi1>
      %jit3A_632 = arith.constant 0 : i32
      %broadcast_in_dim3A_633 = vector.broadcast %jit3A_632 : i32 to vector<16xi32>
      %select_n3A_634 = arith.select %and3A_631, %sub3A_624, %broadcast_in_dim3A_633 : vector<16xi1>, vector<16xi32>
      %lt3A_635 = arith.constant 0 : i32
      %lt3A_636 = vector.broadcast %lt3A_635 : i32 to vector<16xi32>
      %lt3A_637 = arith.cmpi slt, %select_n3A_634, %lt3A_636 : vector<16xi32>
      %add3A_638 = arith.constant 16 : i32
      %add3A_639 = vector.broadcast %add3A_638 : i32 to vector<16xi32>
      %add3A_640 = arith.addi %select_n3A_634, %add3A_639 : vector<16xi32>
      %select_n3A_641 = arith.select %lt3A_637, %add3A_640, %select_n3A_634 : vector<16xi1>, vector<16xi32>
      %broadcast_in_dim3A_642 = vector.shape_cast %select_n3A_641 : vector<16xi32> to vector<16x1xi32>
      %gather3A_643 = vector.shape_cast %broadcast_in_dim3A_642 : vector<16x1xi32> to vector<16xi32>
      %gather3A_644 = tpu.dynamic_gather %get3A_621[%gather3A_643] in [0] : vector<16xf32>, vector<16xi32> -> vector<16xf32>
      %select_n3A_645 = arith.select %and3A_631, %gather3A_644, %select_n3A_618 : vector<16xi1>, vector<16xf32>
      %get3A_646 = arith.constant 32 : index
      %get3A_647 = tpu.vector_load %arg12[%get3A_646] {strides = array<i32>} : memref<112xf32, #tpu.memory_space<vmem>>, vector<16xf32>,
      %get3A_648 = vector.shape_cast %get3A_647 : vector<16xf32> to vector<16xf32>
      %sub3A_649 = arith.constant 32 : i32
      %sub3A_650 = vector.broadcast %sub3A_649 : i32 to vector<16xi32>
      %sub3A_651 = arith.subi %get3A_13, %sub3A_650 : vector<16xi32>
      %ge3A_652 = arith.constant 0 : i32
      %ge3A_653 = vector.broadcast %ge3A_652 : i32 to vector<16xi32>
      %ge3A_654 = arith.cmpi sge, %sub3A_651, %ge3A_653 : vector<16xi32>
      %lt3A_655 = arith.constant 16 : i32
      %lt3A_656 = vector.broadcast %lt3A_655 : i32 to vector<16xi32>
      %lt3A_657 = arith.cmpi slt, %sub3A_651, %lt3A_656 : vector<16xi32>
      %and3A_658 = arith.andi %ge3A_654, %lt3A_657 : vector<16xi1>
      %jit3A_659 = arith.constant 0 : i32
      %broadcast_in_dim3A_660 = vector.broadcast %jit3A_659 : i32 to vector<16xi32>
      %select_n3A_661 = arith.select %and3A_658, %sub3A_651, %broadcast_in_dim3A_660 : vector<16xi1>, vector<16xi32>
      %lt3A_662 = arith.constant 0 : i32
      %lt3A_663 = vector.broadcast %lt3A_662 : i32 to vector<16xi32>
      %lt3A_664 = arith.cmpi slt, %select_n3A_661, %lt3A_663 : vector<16xi32>
      %add3A_665 = arith.constant 16 : i32
      %add3A_666 = vector.broadcast %add3A_665 : i32 to vector<16xi32>
      %add3A_667 = arith.addi %select_n3A_661, %add3A_666 : vector<16xi32>
      %select_n3A_668 = arith.select %lt3A_664, %add3A_667, %select_n3A_661 : vector<16xi1>, vector<16xi32>
      %broadcast_in_dim3A_669 = vector.shape_cast %select_n3A_668 : vector<16xi32> to vector<16x1xi32>
      %gather3A_670 = vector.shape_cast %broadcast_in_dim3A_669 : vector<16x1xi32> to vector<16xi32>
      %gather3A_671 = tpu.dynamic_gather %get3A_648[%gather3A_670] in [0] : vector<16xf32>, vector<16xi32> -> vector<16xf32>
      %select_n3A_672 = arith.select %and3A_658, %gather3A_671, %select_n3A_645 : vector<16xi1>, vector<16xf32>
      %get3A_673 = arith.constant 48 : index
      %get3A_674 = tpu.vector_load %arg12[%get3A_673] {strides = array<i32>} : memref<112xf32, #tpu.memory_space<vmem>>, vector<16xf32>,
      %get3A_675 = vector.shape_cast %get3A_674 : vector<16xf32> to vector<16xf32>
      %sub3A_676 = arith.constant 48 : i32
      %sub3A_677 = vector.broadcast %sub3A_676 : i32 to vector<16xi32>
      %sub3A_678 = arith.subi %get3A_13, %sub3A_677 : vector<16xi32>
      %ge3A_679 = arith.constant 0 : i32
      %ge3A_680 = vector.broadcast %ge3A_679 : i32 to vector<16xi32>
      %ge3A_681 = arith.cmpi sge, %sub3A_678, %ge3A_680 : vector<16xi32>
      %lt3A_682 = arith.constant 16 : i32
      %lt3A_683 = vector.broadcast %lt3A_682 : i32 to vector<16xi32>
      %lt3A_684 = arith.cmpi slt, %sub3A_678, %lt3A_683 : vector<16xi32>
      %and3A_685 = arith.andi %ge3A_681, %lt3A_684 : vector<16xi1>
      %jit3A_686 = arith.constant 0 : i32
      %broadcast_in_dim3A_687 = vector.broadcast %jit3A_686 : i32 to vector<16xi32>
      %select_n3A_688 = arith.select %and3A_685, %sub3A_678, %broadcast_in_dim3A_687 : vector<16xi1>, vector<16xi32>
      %lt3A_689 = arith.constant 0 : i32
      %lt3A_690 = vector.broadcast %lt3A_689 : i32 to vector<16xi32>
      %lt3A_691 = arith.cmpi slt, %select_n3A_688, %lt3A_690 : vector<16xi32>
      %add3A_692 = arith.constant 16 : i32
      %add3A_693 = vector.broadcast %add3A_692 : i32 to vector<16xi32>
      %add3A_694 = arith.addi %select_n3A_688, %add3A_693 : vector<16xi32>
      %select_n3A_695 = arith.select %lt3A_691, %add3A_694, %select_n3A_688 : vector<16xi1>, vector<16xi32>
      %broadcast_in_dim3A_696 = vector.shape_cast %select_n3A_695 : vector<16xi32> to vector<16x1xi32>
      %gather3A_697 = vector.shape_cast %broadcast_in_dim3A_696 : vector<16x1xi32> to vector<16xi32>
      %gather3A_698 = tpu.dynamic_gather %get3A_675[%gather3A_697] in [0] : vector<16xf32>, vector<16xi32> -> vector<16xf32>
      %select_n3A_699 = arith.select %and3A_685, %gather3A_698, %select_n3A_672 : vector<16xi1>, vector<16xf32>
      %get3A_700 = arith.constant 64 : index
      %get3A_701 = tpu.vector_load %arg12[%get3A_700] {strides = array<i32>} : memref<112xf32, #tpu.memory_space<vmem>>, vector<16xf32>,
      %get3A_702 = vector.shape_cast %get3A_701 : vector<16xf32> to vector<16xf32>
      %sub3A_703 = arith.constant 64 : i32
      %sub3A_704 = vector.broadcast %sub3A_703 : i32 to vector<16xi32>
      %sub3A_705 = arith.subi %get3A_13, %sub3A_704 : vector<16xi32>
      %ge3A_706 = arith.constant 0 : i32
      %ge3A_707 = vector.broadcast %ge3A_706 : i32 to vector<16xi32>
      %ge3A_708 = arith.cmpi sge, %sub3A_705, %ge3A_707 : vector<16xi32>
      %lt3A_709 = arith.constant 16 : i32
      %lt3A_710 = vector.broadcast %lt3A_709 : i32 to vector<16xi32>
      %lt3A_711 = arith.cmpi slt, %sub3A_705, %lt3A_710 : vector<16xi32>
      %and3A_712 = arith.andi %ge3A_708, %lt3A_711 : vector<16xi1>
      %jit3A_713 = arith.constant 0 : i32
      %broadcast_in_dim3A_714 = vector.broadcast %jit3A_713 : i32 to vector<16xi32>
      %select_n3A_715 = arith.select %and3A_712, %sub3A_705, %broadcast_in_dim3A_714 : vector<16xi1>, vector<16xi32>
      %lt3A_716 = arith.constant 0 : i32
      %lt3A_717 = vector.broadcast %lt3A_716 : i32 to vector<16xi32>
      %lt3A_718 = arith.cmpi slt, %select_n3A_715, %lt3A_717 : vector<16xi32>
      %add3A_719 = arith.constant 16 : i32
      %add3A_720 = vector.broadcast %add3A_719 : i32 to vector<16xi32>
      %add3A_721 = arith.addi %select_n3A_715, %add3A_720 : vector<16xi32>
      %select_n3A_722 = arith.select %lt3A_718, %add3A_721, %select_n3A_715 : vector<16xi1>, vector<16xi32>
      %broadcast_in_dim3A_723 = vector.shape_cast %select_n3A_722 : vector<16xi32> to vector<16x1xi32>
      %gather3A_724 = vector.shape_cast %broadcast_in_dim3A_723 : vector<16x1xi32> to vector<16xi32>
      %gather3A_725 = tpu.dynamic_gather %get3A_702[%gather3A_724] in [0] : vector<16xf32>, vector<16xi32> -> vector<16xf32>
      %select_n3A_726 = arith.select %and3A_712, %gather3A_725, %select_n3A_699 : vector<16xi1>, vector<16xf32>
      %get3A_727 = arith.constant 80 : index
      %get3A_728 = tpu.vector_load %arg12[%get3A_727] {strides = array<i32>} : memref<112xf32, #tpu.memory_space<vmem>>, vector<16xf32>,
      %get3A_729 = vector.shape_cast %get3A_728 : vector<16xf32> to vector<16xf32>
      %sub3A_730 = arith.constant 80 : i32
      %sub3A_731 = vector.broadcast %sub3A_730 : i32 to vector<16xi32>
      %sub3A_732 = arith.subi %get3A_13, %sub3A_731 : vector<16xi32>
      %ge3A_733 = arith.constant 0 : i32
      %ge3A_734 = vector.broadcast %ge3A_733 : i32 to vector<16xi32>
      %ge3A_735 = arith.cmpi sge, %sub3A_732, %ge3A_734 : vector<16xi32>
      %lt3A_736 = arith.constant 16 : i32
      %lt3A_737 = vector.broadcast %lt3A_736 : i32 to vector<16xi32>
      %lt3A_738 = arith.cmpi slt, %sub3A_732, %lt3A_737 : vector<16xi32>
      %and3A_739 = arith.andi %ge3A_735, %lt3A_738 : vector<16xi1>
      %jit3A_740 = arith.constant 0 : i32
      %broadcast_in_dim3A_741 = vector.broadcast %jit3A_740 : i32 to vector<16xi32>
      %select_n3A_742 = arith.select %and3A_739, %sub3A_732, %broadcast_in_dim3A_741 : vector<16xi1>, vector<16xi32>
      %lt3A_743 = arith.constant 0 : i32
      %lt3A_744 = vector.broadcast %lt3A_743 : i32 to vector<16xi32>
      %lt3A_745 = arith.cmpi slt, %select_n3A_742, %lt3A_744 : vector<16xi32>
      %add3A_746 = arith.constant 16 : i32
      %add3A_747 = vector.broadcast %add3A_746 : i32 to vector<16xi32>
      %add3A_748 = arith.addi %select_n3A_742, %add3A_747 : vector<16xi32>
      %select_n3A_749 = arith.select %lt3A_745, %add3A_748, %select_n3A_742 : vector<16xi1>, vector<16xi32>
      %broadcast_in_dim3A_750 = vector.shape_cast %select_n3A_749 : vector<16xi32> to vector<16x1xi32>
      %gather3A_751 = vector.shape_cast %broadcast_in_dim3A_750 : vector<16x1xi32> to vector<16xi32>
      %gather3A_752 = tpu.dynamic_gather %get3A_729[%gather3A_751] in [0] : vector<16xf32>, vector<16xi32> -> vector<16xf32>
      %select_n3A_753 = arith.select %and3A_739, %gather3A_752, %select_n3A_726 : vector<16xi1>, vector<16xf32>
      %get3A_754 = arith.constant 96 : index
      %get3A_755 = tpu.vector_load %arg12[%get3A_754] {strides = array<i32>} : memref<112xf32, #tpu.memory_space<vmem>>, vector<16xf32>,
      %get3A_756 = vector.shape_cast %get3A_755 : vector<16xf32> to vector<16xf32>
      %sub3A_757 = arith.constant 96 : i32
      %sub3A_758 = vector.broadcast %sub3A_757 : i32 to vector<16xi32>
      %sub3A_759 = arith.subi %get3A_13, %sub3A_758 : vector<16xi32>
      %ge3A_760 = arith.constant 0 : i32
      %ge3A_761 = vector.broadcast %ge3A_760 : i32 to vector<16xi32>
      %ge3A_762 = arith.cmpi sge, %sub3A_759, %ge3A_761 : vector<16xi32>
      %lt3A_763 = arith.constant 16 : i32
      %lt3A_764 = vector.broadcast %lt3A_763 : i32 to vector<16xi32>
      %lt3A_765 = arith.cmpi slt, %sub3A_759, %lt3A_764 : vector<16xi32>
      %and3A_766 = arith.andi %ge3A_762, %lt3A_765 : vector<16xi1>
      %jit3A_767 = arith.constant 0 : i32
      %broadcast_in_dim3A_768 = vector.broadcast %jit3A_767 : i32 to vector<16xi32>
      %select_n3A_769 = arith.select %and3A_766, %sub3A_759, %broadcast_in_dim3A_768 : vector<16xi1>, vector<16xi32>
      %lt3A_770 = arith.constant 0 : i32
      %lt3A_771 = vector.broadcast %lt3A_770 : i32 to vector<16xi32>
      %lt3A_772 = arith.cmpi slt, %select_n3A_769, %lt3A_771 : vector<16xi32>
      %add3A_773 = arith.constant 16 : i32
      %add3A_774 = vector.broadcast %add3A_773 : i32 to vector<16xi32>
      %add3A_775 = arith.addi %select_n3A_769, %add3A_774 : vector<16xi32>
      %select_n3A_776 = arith.select %lt3A_772, %add3A_775, %select_n3A_769 : vector<16xi1>, vector<16xi32>
      %broadcast_in_dim3A_777 = vector.shape_cast %select_n3A_776 : vector<16xi32> to vector<16x1xi32>
      %gather3A_778 = vector.shape_cast %broadcast_in_dim3A_777 : vector<16x1xi32> to vector<16xi32>
      %gather3A_779 = tpu.dynamic_gather %get3A_756[%gather3A_778] in [0] : vector<16xf32>, vector<16xi32> -> vector<16xf32>
      %select_n3A_780 = arith.select %and3A_766, %gather3A_779, %select_n3A_753 : vector<16xi1>, vector<16xf32>
      %swap3A_781 = arith.index_cast %mul3A_11 : i32 to index
      %swap3A_782 = tpu.vector_load %arg16[%swap3A_781] {strides = array<i32>} : memref<1152xf32, #tpu.memory_space<vmem>>, vector<16xf32>,
      %swap3A_783 = vector.shape_cast %swap3A_782 : vector<16xf32> to vector<16xf32>
      %swap3A_784 = vector.shape_cast %select_n3A_780 : vector<16xf32> to vector<16xf32>
      tpu.vector_store %arg16[%swap3A_781], %swap3A_784 {strides = array<i32>} : memref<1152xf32, #tpu.memory_space<vmem>>, vector<16xf32>,
    }
    %scan3A_5 = arith.constant 72 : i32
    %run_scoped3A = arith.constant 0 : i32
    "tpu.region"() ({
      %run_scoped3A_9 = tpu.sem_alloc : memref<!tpu.dma_semaphore, #tpu.memory_space<semaphore_mem>>
      %dma_start3A = arith.constant 0 : i32
      %dma_start3A_10 = tpu.memref_slice %arg7[%run_scoped3A, %add3A, %dma_start3A] : memref<4x32x1152xf32, #tpu.memory_space<hbm>> -> memref<1x1x1152xf32, #tpu.memory_space<hbm>>
      %dma_start3A_11 = tpu.memref_squeeze %dma_start3A_10 : memref<1x1x1152xf32, #tpu.memory_space<hbm>> -> memref<1152xf32, #tpu.memory_space<hbm>>
      %dma_start3A_12 = arith.constant 0 : i32
      %dma_start3A_13 = tpu.memref_slice %arg7[%run_scoped3A, %add3A, %dma_start3A_12] : memref<4x32x1152xf32, #tpu.memory_space<hbm>> -> memref<1x1x1152xf32, #tpu.memory_space<hbm>>
      %dma_start3A_14 = tpu.memref_squeeze %dma_start3A_13 : memref<1x1x1152xf32, #tpu.memory_space<hbm>> -> memref<1152xf32, #tpu.memory_space<hbm>>
      tpu.enqueue_dma source(%arg13 : memref<1152xf32, #tpu.memory_space<vmem>>) target(%dma_start3A_14 : memref<1152xf32, #tpu.memory_space<hbm>>) target_semaphore(%run_scoped3A_9 : memref<!tpu.dma_semaphore, #tpu.memory_space<semaphore_mem>>)
      %dma_wait3A = arith.constant 0 : i32
      %dma_wait3A_15 = tpu.memref_slice %arg7[%run_scoped3A, %add3A, %dma_wait3A] : memref<4x32x1152xf32, #tpu.memory_space<hbm>> -> memref<1x1x1152xf32, #tpu.memory_space<hbm>>
      %dma_wait3A_16 = tpu.memref_squeeze %dma_wait3A_15 : memref<1x1x1152xf32, #tpu.memory_space<hbm>> -> memref<1152xf32, #tpu.memory_space<hbm>>
      %dma_wait3A_17 = arith.constant 0 : i32
      %dma_wait3A_18 = tpu.memref_slice %arg7[%run_scoped3A, %add3A, %dma_wait3A_17] : memref<4x32x1152xf32, #tpu.memory_space<hbm>> -> memref<1x1x1152xf32, #tpu.memory_space<hbm>>
      %dma_wait3A_19 = tpu.memref_squeeze %dma_wait3A_18 : memref<1x1x1152xf32, #tpu.memory_space<hbm>> -> memref<1152xf32, #tpu.memory_space<hbm>>
      tpu.wait_dma2 semaphore(%run_scoped3A_9 : memref<!tpu.dma_semaphore, #tpu.memory_space<semaphore_mem>>) src(%arg13 : memref<1152xf32, #tpu.memory_space<vmem>>) dst(%dma_wait3A_19 : memref<1152xf32, #tpu.memory_space<hbm>>)
      tpu.yield
    }) : () -> ()
    %run_scoped3A_6 = arith.constant 1 : i32
    "tpu.region"() ({
      %run_scoped3A_9 = tpu.sem_alloc : memref<!tpu.dma_semaphore, #tpu.memory_space<semaphore_mem>>
      %dma_start3A = arith.constant 0 : i32
      %dma_start3A_10 = tpu.memref_slice %arg7[%run_scoped3A_6, %add3A, %dma_start3A] : memref<4x32x1152xf32, #tpu.memory_space<hbm>> -> memref<1x1x1152xf32, #tpu.memory_space<hbm>>
      %dma_start3A_11 = tpu.memref_squeeze %dma_start3A_10 : memref<1x1x1152xf32, #tpu.memory_space<hbm>> -> memref<1152xf32, #tpu.memory_space<hbm>>
      %dma_start3A_12 = arith.constant 0 : i32
      %dma_start3A_13 = tpu.memref_slice %arg7[%run_scoped3A_6, %add3A, %dma_start3A_12] : memref<4x32x1152xf32, #tpu.memory_space<hbm>> -> memref<1x1x1152xf32, #tpu.memory_space<hbm>>
      %dma_start3A_14 = tpu.memref_squeeze %dma_start3A_13 : memref<1x1x1152xf32, #tpu.memory_space<hbm>> -> memref<1152xf32, #tpu.memory_space<hbm>>
      tpu.enqueue_dma source(%arg14 : memref<1152xf32, #tpu.memory_space<vmem>>) target(%dma_start3A_14 : memref<1152xf32, #tpu.memory_space<hbm>>) target_semaphore(%run_scoped3A_9 : memref<!tpu.dma_semaphore, #tpu.memory_space<semaphore_mem>>)
      %dma_wait3A = arith.constant 0 : i32
      %dma_wait3A_15 = tpu.memref_slice %arg7[%run_scoped3A_6, %add3A, %dma_wait3A] : memref<4x32x1152xf32, #tpu.memory_space<hbm>> -> memref<1x1x1152xf32, #tpu.memory_space<hbm>>
      %dma_wait3A_16 = tpu.memref_squeeze %dma_wait3A_15 : memref<1x1x1152xf32, #tpu.memory_space<hbm>> -> memref<1152xf32, #tpu.memory_space<hbm>>
      %dma_wait3A_17 = arith.constant 0 : i32
      %dma_wait3A_18 = tpu.memref_slice %arg7[%run_scoped3A_6, %add3A, %dma_wait3A_17] : memref<4x32x1152xf32, #tpu.memory_space<hbm>> -> memref<1x1x1152xf32, #tpu.memory_space<hbm>>
      %dma_wait3A_19 = tpu.memref_squeeze %dma_wait3A_18 : memref<1x1x1152xf32, #tpu.memory_space<hbm>> -> memref<1152xf32, #tpu.memory_space<hbm>>
      tpu.wait_dma2 semaphore(%run_scoped3A_9 : memref<!tpu.dma_semaphore, #tpu.memory_space<semaphore_mem>>) src(%arg14 : memref<1152xf32, #tpu.memory_space<vmem>>) dst(%dma_wait3A_19 : memref<1152xf32, #tpu.memory_space<hbm>>)
      tpu.yield
    }) : () -> ()
    %run_scoped3A_7 = arith.constant 2 : i32
    "tpu.region"() ({
      %run_scoped3A_9 = tpu.sem_alloc : memref<!tpu.dma_semaphore, #tpu.memory_space<semaphore_mem>>
      %dma_start3A = arith.constant 0 : i32
      %dma_start3A_10 = tpu.memref_slice %arg7[%run_scoped3A_7, %add3A, %dma_start3A] : memref<4x32x1152xf32, #tpu.memory_space<hbm>> -> memref<1x1x1152xf32, #tpu.memory_space<hbm>>
      %dma_start3A_11 = tpu.memref_squeeze %dma_start3A_10 : memref<1x1x1152xf32, #tpu.memory_space<hbm>> -> memref<1152xf32, #tpu.memory_space<hbm>>
      %dma_start3A_12 = arith.constant 0 : i32
      %dma_start3A_13 = tpu.memref_slice %arg7[%run_scoped3A_7, %add3A, %dma_start3A_12] : memref<4x32x1152xf32, #tpu.memory_space<hbm>> -> memref<1x1x1152xf32, #tpu.memory_space<hbm>>
      %dma_start3A_14 = tpu.memref_squeeze %dma_start3A_13 : memref<1x1x1152xf32, #tpu.memory_space<hbm>> -> memref<1152xf32, #tpu.memory_space<hbm>>
      tpu.enqueue_dma source(%arg15 : memref<1152xf32, #tpu.memory_space<vmem>>) target(%dma_start3A_14 : memref<1152xf32, #tpu.memory_space<hbm>>) target_semaphore(%run_scoped3A_9 : memref<!tpu.dma_semaphore, #tpu.memory_space<semaphore_mem>>)
      %dma_wait3A = arith.constant 0 : i32
      %dma_wait3A_15 = tpu.memref_slice %arg7[%run_scoped3A_7, %add3A, %dma_wait3A] : memref<4x32x1152xf32, #tpu.memory_space<hbm>> -> memref<1x1x1152xf32, #tpu.memory_space<hbm>>
      %dma_wait3A_16 = tpu.memref_squeeze %dma_wait3A_15 : memref<1x1x1152xf32, #tpu.memory_space<hbm>> -> memref<1152xf32, #tpu.memory_space<hbm>>
      %dma_wait3A_17 = arith.constant 0 : i32
      %dma_wait3A_18 = tpu.memref_slice %arg7[%run_scoped3A_7, %add3A, %dma_wait3A_17] : memref<4x32x1152xf32, #tpu.memory_space<hbm>> -> memref<1x1x1152xf32, #tpu.memory_space<hbm>>
      %dma_wait3A_19 = tpu.memref_squeeze %dma_wait3A_18 : memref<1x1x1152xf32, #tpu.memory_space<hbm>> -> memref<1152xf32, #tpu.memory_space<hbm>>
      tpu.wait_dma2 semaphore(%run_scoped3A_9 : memref<!tpu.dma_semaphore, #tpu.memory_space<semaphore_mem>>) src(%arg15 : memref<1152xf32, #tpu.memory_space<vmem>>) dst(%dma_wait3A_19 : memref<1152xf32, #tpu.memory_space<hbm>>)
      tpu.yield
    }) : () -> ()
    %run_scoped3A_8 = arith.constant 3 : i32
    "tpu.region"() ({
      %run_scoped3A_9 = tpu.sem_alloc : memref<!tpu.dma_semaphore, #tpu.memory_space<semaphore_mem>>
      %dma_start3A = arith.constant 0 : i32
      %dma_start3A_10 = tpu.memref_slice %arg7[%run_scoped3A_8, %add3A, %dma_start3A] : memref<4x32x1152xf32, #tpu.memory_space<hbm>> -> memref<1x1x1152xf32, #tpu.memory_space<hbm>>
      %dma_start3A_11 = tpu.memref_squeeze %dma_start3A_10 : memref<1x1x1152xf32, #tpu.memory_space<hbm>> -> memref<1152xf32, #tpu.memory_space<hbm>>
      %dma_start3A_12 = arith.constant 0 : i32
      %dma_start3A_13 = tpu.memref_slice %arg7[%run_scoped3A_8, %add3A, %dma_start3A_12] : memref<4x32x1152xf32, #tpu.memory_space<hbm>> -> memref<1x1x1152xf32, #tpu.memory_space<hbm>>
      %dma_start3A_14 = tpu.memref_squeeze %dma_start3A_13 : memref<1x1x1152xf32, #tpu.memory_space<hbm>> -> memref<1152xf32, #tpu.memory_space<hbm>>
      tpu.enqueue_dma source(%arg16 : memref<1152xf32, #tpu.memory_space<vmem>>) target(%dma_start3A_14 : memref<1152xf32, #tpu.memory_space<hbm>>) target_semaphore(%run_scoped3A_9 : memref<!tpu.dma_semaphore, #tpu.memory_space<semaphore_mem>>)
      %dma_wait3A = arith.constant 0 : i32
      %dma_wait3A_15 = tpu.memref_slice %arg7[%run_scoped3A_8, %add3A, %dma_wait3A] : memref<4x32x1152xf32, #tpu.memory_space<hbm>> -> memref<1x1x1152xf32, #tpu.memory_space<hbm>>
      %dma_wait3A_16 = tpu.memref_squeeze %dma_wait3A_15 : memref<1x1x1152xf32, #tpu.memory_space<hbm>> -> memref<1152xf32, #tpu.memory_space<hbm>>
      %dma_wait3A_17 = arith.constant 0 : i32
      %dma_wait3A_18 = tpu.memref_slice %arg7[%run_scoped3A_8, %add3A, %dma_wait3A_17] : memref<4x32x1152xf32, #tpu.memory_space<hbm>> -> memref<1x1x1152xf32, #tpu.memory_space<hbm>>
      %dma_wait3A_19 = tpu.memref_squeeze %dma_wait3A_18 : memref<1x1x1152xf32, #tpu.memory_space<hbm>> -> memref<1152xf32, #tpu.memory_space<hbm>>
      tpu.wait_dma2 semaphore(%run_scoped3A_9 : memref<!tpu.dma_semaphore, #tpu.memory_space<semaphore_mem>>) src(%arg16 : memref<1152xf32, #tpu.memory_space<vmem>>) dst(%dma_wait3A_19 : memref<1152xf32, #tpu.memory_space<hbm>>)
      tpu.yield
    }) : () -> ()
    return
  }
}

module attributes {stable_mosaic.version = 14 : i64} {
  func.func @_iou_body(%arg0: memref<5x128xf32, #tpu.memory_space<smem>>, %arg1: memref<4x288x128xf32, #tpu.memory_space<vmem>>, %arg2: memref<288x128xf32, #tpu.memory_space<vmem>>, %arg3: memref<288x128xi32, #tpu.memory_space<vmem>>) attributes {dimension_semantics = [], scalar_prefetch = 0 : i64, scratch_operands = 0 : i64, tpu.core_type = #tpu.core_type<tc>} {
    %get3A = arith.constant 0 : index
    %get3A_0 = arith.constant 0 : index
    %get3A_1 = arith.constant 0 : index
    %get3A_2 = vector.load %arg1[%get3A, %get3A_0, %get3A_1] : memref<4x288x128xf32, #tpu.memory_space<vmem>>, vector<1x288x128xf32>
    %get3A_3 = vector.shape_cast %get3A_2 : vector<1x288x128xf32> to vector<288x128xf32>
    %get3A_4 = arith.constant 1 : index
    %get3A_5 = arith.constant 0 : index
    %get3A_6 = arith.constant 0 : index
    %get3A_7 = vector.load %arg1[%get3A_4, %get3A_5, %get3A_6] : memref<4x288x128xf32, #tpu.memory_space<vmem>>, vector<1x288x128xf32>
    %get3A_8 = vector.shape_cast %get3A_7 : vector<1x288x128xf32> to vector<288x128xf32>
    %get3A_9 = arith.constant 2 : index
    %get3A_10 = arith.constant 0 : index
    %get3A_11 = arith.constant 0 : index
    %get3A_12 = vector.load %arg1[%get3A_9, %get3A_10, %get3A_11] : memref<4x288x128xf32, #tpu.memory_space<vmem>>, vector<1x288x128xf32>
    %get3A_13 = vector.shape_cast %get3A_12 : vector<1x288x128xf32> to vector<288x128xf32>
    %get3A_14 = arith.constant 3 : index
    %get3A_15 = arith.constant 0 : index
    %get3A_16 = arith.constant 0 : index
    %get3A_17 = vector.load %arg1[%get3A_14, %get3A_15, %get3A_16] : memref<4x288x128xf32, #tpu.memory_space<vmem>>, vector<1x288x128xf32>
    %get3A_18 = vector.shape_cast %get3A_17 : vector<1x288x128xf32> to vector<288x128xf32>
    %sub3A = arith.subf %get3A_13, %get3A_3 : vector<288x128xf32>
    %add3A = arith.constant 1.000000e+00 : f32
    %add3A_19 = vector.broadcast %add3A : f32 to vector<288x128xf32>
    %add3A_20 = arith.addf %sub3A, %add3A_19 : vector<288x128xf32>
    %sub3A_21 = arith.subf %get3A_18, %get3A_8 : vector<288x128xf32>
    %add3A_22 = arith.constant 1.000000e+00 : f32
    %add3A_23 = vector.broadcast %add3A_22 : f32 to vector<288x128xf32>
    %add3A_24 = arith.addf %sub3A_21, %add3A_23 : vector<288x128xf32>
    %mul3A = arith.mulf %add3A_20, %add3A_24 : vector<288x128xf32>
    %get3A_25 = arith.constant 4 : index
    %get3A_26 = arith.constant 0 : index
    %get3A_27 = memref.load %arg0[%get3A_25, %get3A_26] : memref<5x128xf32, #tpu.memory_space<smem>>
    %get3A_28 = arith.constant 4 : index
    %get3A_29 = arith.constant 1 : index
    %get3A_30 = memref.load %arg0[%get3A_28, %get3A_29] : memref<5x128xf32, #tpu.memory_space<smem>>
    %ge3A = arith.constant 0.000000e+00 : f32
    %ge3A_31 = vector.broadcast %ge3A : f32 to vector<288x128xf32>
    %ge3A_32 = arith.cmpf oge, %get3A_3, %ge3A_31 : vector<288x128xf32>
    %ge3A_33 = arith.constant 0.000000e+00 : f32
    %ge3A_34 = vector.broadcast %ge3A_33 : f32 to vector<288x128xf32>
    %ge3A_35 = arith.cmpf oge, %get3A_8, %ge3A_34 : vector<288x128xf32>
    %and3A = arith.andi %ge3A_32, %ge3A_35 : vector<288x128xi1>
    %lt3A = vector.broadcast %get3A_30 : f32 to vector<288x128xf32>
    %lt3A_36 = arith.cmpf olt, %get3A_13, %lt3A : vector<288x128xf32>
    %and3A_37 = arith.andi %and3A, %lt3A_36 : vector<288x128xi1>
    %lt3A_38 = vector.broadcast %get3A_27 : f32 to vector<288x128xf32>
    %lt3A_39 = arith.cmpf olt, %get3A_18, %lt3A_38 : vector<288x128xf32>
    %and3A_40 = arith.andi %and3A_37, %lt3A_39 : vector<288x128xi1>
    %broadcast_in_dim3A = arith.constant -1.000000e+00 : f32
    %broadcast_in_dim3A_41 = vector.broadcast %broadcast_in_dim3A : f32 to vector<288x128xf32>
    %broadcast_in_dim3A_42 = arith.constant 0.000000e+00 : f32
    %broadcast_in_dim3A_43 = vector.broadcast %broadcast_in_dim3A_42 : f32 to vector<288x128xf32>
    %broadcast_in_dim3A_44 = arith.constant 0 : i32
    %broadcast_in_dim3A_45 = vector.broadcast %broadcast_in_dim3A_44 : i32 to vector<288x128xi32>
    %scan3A = arith.constant 0 : i32
    %scan3A_46 = arith.constant 100 : i32
    %scan3A_47 = arith.addi %scan3A, %scan3A_46 : i32
    %scan3A_48 = arith.constant 1 : i32
    %scan3A_49:3 = scf.for %scan3A_76 = %scan3A to %scan3A_47 step %scan3A_48 iter_args(%scan3A_77 = %broadcast_in_dim3A_41, %scan3A_78 = %broadcast_in_dim3A_45, %scan3A_79 = %broadcast_in_dim3A_43) -> (vector<288x128xf32>, vector<288x128xi32>, vector<288x128xf32>)  : i32 {
      %get3A_80 = arith.constant 0 : index
      %get3A_81 = arith.index_cast %scan3A_76 : i32 to index
      %get3A_82 = memref.load %arg0[%get3A_80, %get3A_81] : memref<5x128xf32, #tpu.memory_space<smem>>
      %get3A_83 = arith.constant 1 : index
      %get3A_84 = arith.index_cast %scan3A_76 : i32 to index
      %get3A_85 = memref.load %arg0[%get3A_83, %get3A_84] : memref<5x128xf32, #tpu.memory_space<smem>>
      %get3A_86 = arith.constant 2 : index
      %get3A_87 = arith.index_cast %scan3A_76 : i32 to index
      %get3A_88 = memref.load %arg0[%get3A_86, %get3A_87] : memref<5x128xf32, #tpu.memory_space<smem>>
      %get3A_89 = arith.constant 3 : index
      %get3A_90 = arith.index_cast %scan3A_76 : i32 to index
      %get3A_91 = memref.load %arg0[%get3A_89, %get3A_90] : memref<5x128xf32, #tpu.memory_space<smem>>
      %min3A = vector.broadcast %get3A_88 : f32 to vector<288x128xf32>
      %min3A_92 = arith.minimumf %get3A_13, %min3A : vector<288x128xf32>
      %max3A = vector.broadcast %get3A_82 : f32 to vector<288x128xf32>
      %max3A_93 = arith.maximumf %get3A_3, %max3A : vector<288x128xf32>
      %sub3A_94 = arith.subf %min3A_92, %max3A_93 : vector<288x128xf32>
      %add3A_95 = arith.constant 1.000000e+00 : f32
      %add3A_96 = vector.broadcast %add3A_95 : f32 to vector<288x128xf32>
      %add3A_97 = arith.addf %sub3A_94, %add3A_96 : vector<288x128xf32>
      %max3A_98 = arith.constant 0.000000e+00 : f32
      %max3A_99 = vector.broadcast %max3A_98 : f32 to vector<288x128xf32>
      %max3A_100 = arith.maximumf %add3A_97, %max3A_99 : vector<288x128xf32>
      %min3A_101 = vector.broadcast %get3A_91 : f32 to vector<288x128xf32>
      %min3A_102 = arith.minimumf %get3A_18, %min3A_101 : vector<288x128xf32>
      %max3A_103 = vector.broadcast %get3A_85 : f32 to vector<288x128xf32>
      %max3A_104 = arith.maximumf %get3A_8, %max3A_103 : vector<288x128xf32>
      %sub3A_105 = arith.subf %min3A_102, %max3A_104 : vector<288x128xf32>
      %add3A_106 = arith.constant 1.000000e+00 : f32
      %add3A_107 = vector.broadcast %add3A_106 : f32 to vector<288x128xf32>
      %add3A_108 = arith.addf %sub3A_105, %add3A_107 : vector<288x128xf32>
      %max3A_109 = arith.constant 0.000000e+00 : f32
      %max3A_110 = vector.broadcast %max3A_109 : f32 to vector<288x128xf32>
      %max3A_111 = arith.maximumf %add3A_108, %max3A_110 : vector<288x128xf32>
      %mul3A_112 = arith.mulf %max3A_100, %max3A_111 : vector<288x128xf32>
      %sub3A_113 = arith.subf %get3A_88, %get3A_82 : f32
      %add3A_114 = arith.constant 1.000000e+00 : f32
      %add3A_115 = arith.addf %sub3A_113, %add3A_114 : f32
      %sub3A_116 = arith.subf %get3A_91, %get3A_85 : f32
      %add3A_117 = arith.constant 1.000000e+00 : f32
      %add3A_118 = arith.addf %sub3A_116, %add3A_117 : f32
      %mul3A_119 = arith.mulf %add3A_115, %add3A_118 : f32
      %add3A_120 = vector.broadcast %mul3A_119 : f32 to vector<288x128xf32>
      %add3A_121 = arith.addf %mul3A, %add3A_120 : vector<288x128xf32>
      %sub3A_122 = arith.subf %add3A_121, %mul3A_112 : vector<288x128xf32>
      %div3A = arith.divf %mul3A_112, %sub3A_122 : vector<288x128xf32>
      %gt3A_123 = arith.cmpf ogt, %div3A, %scan3A_77 : vector<288x128xf32>
      %select_n3A_124 = arith.select %gt3A_123, %div3A, %scan3A_77 : vector<288x128xi1>, vector<288x128xf32>
      %broadcast_in_dim3A_125 = vector.broadcast %scan3A_76 : i32 to vector<288x128xi32>
      %select_n3A_126 = arith.select %gt3A_123, %broadcast_in_dim3A_125, %scan3A_78 : vector<288x128xi1>, vector<288x128xi32>
      %select_n3A_127 = arith.select %and3A_40, %div3A, %broadcast_in_dim3A_41 : vector<288x128xi1>, vector<288x128xf32>
      %reduce_max3A = vector.shape_cast %select_n3A_127 : vector<288x128xf32> to vector<1x288x128xf32>
      %reduce_max3A_128 = arith.constant dense<0xFF800000> : vector<1xf32>
      %reduce_max3A_129 = vector.multi_reduction <maximumf>, %reduce_max3A, %reduce_max3A_128 [1, 2] : vector<1x288x128xf32> to vector<1xf32>
      %reduce_max3A_130 = vector.shape_cast %reduce_max3A_129 : vector<1xf32> to vector<1x1x1xf32>
      %reduce_max3A_131 = vector.extract %reduce_max3A_130[0, 0, 0] : f32 from vector<1x1x1xf32>
      %eq3A = vector.broadcast %reduce_max3A_131 : f32 to vector<288x128xf32>
      %eq3A_132 = arith.cmpf oeq, %select_n3A_127, %eq3A : vector<288x128xf32>
      %jit3A_133 = arith.constant 1.000000e+00 : f32
      %jit3A_134 = arith.constant 0.000000e+00 : f32
      %broadcast_in_dim3A_135 = vector.broadcast %jit3A_133 : f32 to vector<288x128xf32>
      %broadcast_in_dim3A_136 = vector.broadcast %jit3A_134 : f32 to vector<288x128xf32>
      %select_n3A_137 = arith.select %eq3A_132, %broadcast_in_dim3A_135, %broadcast_in_dim3A_136 : vector<288x128xi1>, vector<288x128xf32>
      %max3A_138 = arith.maximumf %scan3A_79, %select_n3A_137 : vector<288x128xf32>
      scf.yield %select_n3A_124, %select_n3A_126, %max3A_138 : vector<288x128xf32>, vector<288x128xi32>, vector<288x128xf32>
    }
    %scan3A_50 = arith.constant 100 : i32
    %lt3A_51 = arith.constant 3.000000e-01 : f32
    %lt3A_52 = vector.broadcast %lt3A_51 : f32 to vector<288x128xf32>
    %lt3A_53 = arith.cmpf olt, %scan3A_49#0, %lt3A_52 : vector<288x128xf32>
    %jit3A = arith.constant 0.000000e+00 : f32
    %jit3A_54 = arith.constant -1.000000e+00 : f32
    %broadcast_in_dim3A_55 = vector.broadcast %jit3A : f32 to vector<288x128xf32>
    %broadcast_in_dim3A_56 = vector.broadcast %jit3A_54 : f32 to vector<288x128xf32>
    %select_n3A = arith.select %lt3A_53, %broadcast_in_dim3A_55, %broadcast_in_dim3A_56 : vector<288x128xi1>, vector<288x128xf32>
    %gt3A = arith.constant 0.000000e+00 : f32
    %gt3A_57 = vector.broadcast %gt3A : f32 to vector<288x128xf32>
    %gt3A_58 = arith.cmpf ogt, %scan3A_49#2, %gt3A_57 : vector<288x128xf32>
    %jit3A_59 = arith.constant 1.000000e+00 : f32
    %broadcast_in_dim3A_60 = vector.broadcast %jit3A_59 : f32 to vector<288x128xf32>
    %select_n3A_61 = arith.select %gt3A_58, %broadcast_in_dim3A_60, %select_n3A : vector<288x128xi1>, vector<288x128xf32>
    %ge3A_62 = arith.constant 0.699999988 : f32
    %ge3A_63 = vector.broadcast %ge3A_62 : f32 to vector<288x128xf32>
    %ge3A_64 = arith.cmpf oge, %scan3A_49#0, %ge3A_63 : vector<288x128xf32>
    %jit3A_65 = arith.constant 1.000000e+00 : f32
    %broadcast_in_dim3A_66 = vector.broadcast %jit3A_65 : f32 to vector<288x128xf32>
    %select_n3A_67 = arith.select %ge3A_64, %broadcast_in_dim3A_66, %select_n3A_61 : vector<288x128xi1>, vector<288x128xf32>
    %jit3A_68 = arith.constant -1.000000e+00 : f32
    %broadcast_in_dim3A_69 = vector.broadcast %jit3A_68 : f32 to vector<288x128xf32>
    %select_n3A_70 = arith.select %and3A_40, %select_n3A_67, %broadcast_in_dim3A_69 : vector<288x128xi1>, vector<288x128xf32>
    %swap3A = arith.constant 0 : index
    %swap3A_71 = arith.constant 0 : index
    %swap3A_72 = vector.load %arg2[%swap3A, %swap3A_71] : memref<288x128xf32, #tpu.memory_space<vmem>>, vector<288x128xf32>
    tpu.vector_store %arg2[%swap3A, %swap3A_71], %select_n3A_70 {strides = array<i32>} : memref<288x128xf32, #tpu.memory_space<vmem>>, vector<288x128xf32>,
    %swap3A_73 = arith.constant 0 : index
    %swap3A_74 = arith.constant 0 : index
    %swap3A_75 = vector.load %arg3[%swap3A_73, %swap3A_74] : memref<288x128xi32, #tpu.memory_space<vmem>>, vector<288x128xi32>
    tpu.vector_store %arg3[%swap3A_73, %swap3A_74], %scan3A_49#1 {strides = array<i32>} : memref<288x128xi32, #tpu.memory_space<vmem>>, vector<288x128xi32>,
    return
  }
}

module attributes {stable_mosaic.version = 14 : i64} {
  func.func @_transform_body(%arg0: memref<5x128xf32, #tpu.memory_space<smem>>, %arg1: memref<4x288x128xf32, #tpu.memory_space<vmem>>, %arg2: memref<4x288x128xf32, #tpu.memory_space<vmem>>, %arg3: memref<4x288x128xf32, #tpu.memory_space<vmem>>) attributes {dimension_semantics = [], scalar_prefetch = 0 : i64, scratch_operands = 0 : i64, tpu.core_type = #tpu.core_type<tc>} {
    %get3A = arith.constant 0 : index
    %get3A_0 = arith.constant 0 : index
    %get3A_1 = arith.constant 0 : index
    %get3A_2 = vector.load %arg1[%get3A, %get3A_0, %get3A_1] : memref<4x288x128xf32, #tpu.memory_space<vmem>>, vector<1x288x128xf32>
    %get3A_3 = vector.shape_cast %get3A_2 : vector<1x288x128xf32> to vector<288x128xf32>
    %get3A_4 = arith.constant 1 : index
    %get3A_5 = arith.constant 0 : index
    %get3A_6 = arith.constant 0 : index
    %get3A_7 = vector.load %arg1[%get3A_4, %get3A_5, %get3A_6] : memref<4x288x128xf32, #tpu.memory_space<vmem>>, vector<1x288x128xf32>
    %get3A_8 = vector.shape_cast %get3A_7 : vector<1x288x128xf32> to vector<288x128xf32>
    %get3A_9 = arith.constant 2 : index
    %get3A_10 = arith.constant 0 : index
    %get3A_11 = arith.constant 0 : index
    %get3A_12 = vector.load %arg1[%get3A_9, %get3A_10, %get3A_11] : memref<4x288x128xf32, #tpu.memory_space<vmem>>, vector<1x288x128xf32>
    %get3A_13 = vector.shape_cast %get3A_12 : vector<1x288x128xf32> to vector<288x128xf32>
    %get3A_14 = arith.constant 3 : index
    %get3A_15 = arith.constant 0 : index
    %get3A_16 = arith.constant 0 : index
    %get3A_17 = vector.load %arg1[%get3A_14, %get3A_15, %get3A_16] : memref<4x288x128xf32, #tpu.memory_space<vmem>>, vector<1x288x128xf32>
    %get3A_18 = vector.shape_cast %get3A_17 : vector<1x288x128xf32> to vector<288x128xf32>
    %get3A_19 = arith.constant 4 : index
    %get3A_20 = arith.constant 0 : index
    %get3A_21 = memref.load %arg0[%get3A_19, %get3A_20] : memref<5x128xf32, #tpu.memory_space<smem>>
    %get3A_22 = arith.constant 4 : index
    %get3A_23 = arith.constant 1 : index
    %get3A_24 = memref.load %arg0[%get3A_22, %get3A_23] : memref<5x128xf32, #tpu.memory_space<smem>>
    %ge3A = arith.constant 0.000000e+00 : f32
    %ge3A_25 = vector.broadcast %ge3A : f32 to vector<288x128xf32>
    %ge3A_26 = arith.cmpf oge, %get3A_3, %ge3A_25 : vector<288x128xf32>
    %ge3A_27 = arith.constant 0.000000e+00 : f32
    %ge3A_28 = vector.broadcast %ge3A_27 : f32 to vector<288x128xf32>
    %ge3A_29 = arith.cmpf oge, %get3A_8, %ge3A_28 : vector<288x128xf32>
    %and3A = arith.andi %ge3A_26, %ge3A_29 : vector<288x128xi1>
    %lt3A = vector.broadcast %get3A_24 : f32 to vector<288x128xf32>
    %lt3A_30 = arith.cmpf olt, %get3A_13, %lt3A : vector<288x128xf32>
    %and3A_31 = arith.andi %and3A, %lt3A_30 : vector<288x128xi1>
    %lt3A_32 = vector.broadcast %get3A_21 : f32 to vector<288x128xf32>
    %lt3A_33 = arith.cmpf olt, %get3A_18, %lt3A_32 : vector<288x128xf32>
    %and3A_34 = arith.andi %and3A_31, %lt3A_33 : vector<288x128xi1>
    %get3A_35 = arith.constant 0 : index
    %get3A_36 = arith.constant 0 : index
    %get3A_37 = arith.constant 0 : index
    %get3A_38 = vector.load %arg2[%get3A_35, %get3A_36, %get3A_37] : memref<4x288x128xf32, #tpu.memory_space<vmem>>, vector<1x288x128xf32>
    %get3A_39 = vector.shape_cast %get3A_38 : vector<1x288x128xf32> to vector<288x128xf32>
    %get3A_40 = arith.constant 1 : index
    %get3A_41 = arith.constant 0 : index
    %get3A_42 = arith.constant 0 : index
    %get3A_43 = vector.load %arg2[%get3A_40, %get3A_41, %get3A_42] : memref<4x288x128xf32, #tpu.memory_space<vmem>>, vector<1x288x128xf32>
    %get3A_44 = vector.shape_cast %get3A_43 : vector<1x288x128xf32> to vector<288x128xf32>
    %get3A_45 = arith.constant 2 : index
    %get3A_46 = arith.constant 0 : index
    %get3A_47 = arith.constant 0 : index
    %get3A_48 = vector.load %arg2[%get3A_45, %get3A_46, %get3A_47] : memref<4x288x128xf32, #tpu.memory_space<vmem>>, vector<1x288x128xf32>
    %get3A_49 = vector.shape_cast %get3A_48 : vector<1x288x128xf32> to vector<288x128xf32>
    %get3A_50 = arith.constant 3 : index
    %get3A_51 = arith.constant 0 : index
    %get3A_52 = arith.constant 0 : index
    %get3A_53 = vector.load %arg2[%get3A_50, %get3A_51, %get3A_52] : memref<4x288x128xf32, #tpu.memory_space<vmem>>, vector<1x288x128xf32>
    %get3A_54 = vector.shape_cast %get3A_53 : vector<1x288x128xf32> to vector<288x128xf32>
    %sub3A = arith.subf %get3A_13, %get3A_3 : vector<288x128xf32>
    %add3A = arith.constant 1.000000e+00 : f32
    %add3A_55 = vector.broadcast %add3A : f32 to vector<288x128xf32>
    %add3A_56 = arith.addf %sub3A, %add3A_55 : vector<288x128xf32>
    %sub3A_57 = arith.subf %get3A_18, %get3A_8 : vector<288x128xf32>
    %add3A_58 = arith.constant 1.000000e+00 : f32
    %add3A_59 = vector.broadcast %add3A_58 : f32 to vector<288x128xf32>
    %add3A_60 = arith.addf %sub3A_57, %add3A_59 : vector<288x128xf32>
    %mul3A = arith.constant 5.000000e-01 : f32
    %mul3A_61 = vector.broadcast %mul3A : f32 to vector<288x128xf32>
    %mul3A_62 = arith.mulf %mul3A_61, %add3A_56 : vector<288x128xf32>
    %add3A_63 = arith.addf %get3A_3, %mul3A_62 : vector<288x128xf32>
    %mul3A_64 = arith.constant 5.000000e-01 : f32
    %mul3A_65 = vector.broadcast %mul3A_64 : f32 to vector<288x128xf32>
    %mul3A_66 = arith.mulf %mul3A_65, %add3A_60 : vector<288x128xf32>
    %add3A_67 = arith.addf %get3A_8, %mul3A_66 : vector<288x128xf32>
    %sub3A_68 = arith.subf %get3A_49, %get3A_39 : vector<288x128xf32>
    %add3A_69 = arith.constant 1.000000e+00 : f32
    %add3A_70 = vector.broadcast %add3A_69 : f32 to vector<288x128xf32>
    %add3A_71 = arith.addf %sub3A_68, %add3A_70 : vector<288x128xf32>
    %sub3A_72 = arith.subf %get3A_54, %get3A_44 : vector<288x128xf32>
    %add3A_73 = arith.constant 1.000000e+00 : f32
    %add3A_74 = vector.broadcast %add3A_73 : f32 to vector<288x128xf32>
    %add3A_75 = arith.addf %sub3A_72, %add3A_74 : vector<288x128xf32>
    %mul3A_76 = arith.constant 5.000000e-01 : f32
    %mul3A_77 = vector.broadcast %mul3A_76 : f32 to vector<288x128xf32>
    %mul3A_78 = arith.mulf %mul3A_77, %add3A_71 : vector<288x128xf32>
    %add3A_79 = arith.addf %get3A_39, %mul3A_78 : vector<288x128xf32>
    %mul3A_80 = arith.constant 5.000000e-01 : f32
    %mul3A_81 = vector.broadcast %mul3A_80 : f32 to vector<288x128xf32>
    %mul3A_82 = arith.mulf %mul3A_81, %add3A_75 : vector<288x128xf32>
    %add3A_83 = arith.addf %get3A_44, %mul3A_82 : vector<288x128xf32>
    %sub3A_84 = arith.subf %add3A_79, %add3A_63 : vector<288x128xf32>
    %div3A = arith.divf %sub3A_84, %add3A_56 : vector<288x128xf32>
    %jit3A = arith.constant 0.000000e+00 : f32
    %broadcast_in_dim3A = vector.broadcast %jit3A : f32 to vector<288x128xf32>
    %select_n3A = arith.select %and3A_34, %div3A, %broadcast_in_dim3A : vector<288x128xi1>, vector<288x128xf32>
    %swap3A = arith.constant 0 : index
    %swap3A_85 = arith.constant 0 : index
    %swap3A_86 = arith.constant 0 : index
    %swap3A_87 = vector.load %arg3[%swap3A, %swap3A_85, %swap3A_86] : memref<4x288x128xf32, #tpu.memory_space<vmem>>, vector<1x288x128xf32>
    %swap3A_88 = vector.shape_cast %swap3A_87 : vector<1x288x128xf32> to vector<288x128xf32>
    %swap3A_89 = vector.shape_cast %select_n3A : vector<288x128xf32> to vector<1x288x128xf32>
    tpu.vector_store %arg3[%swap3A, %swap3A_85, %swap3A_86], %swap3A_89 {strides = array<i32>} : memref<4x288x128xf32, #tpu.memory_space<vmem>>, vector<1x288x128xf32>,
    %sub3A_90 = arith.subf %add3A_83, %add3A_67 : vector<288x128xf32>
    %div3A_91 = arith.divf %sub3A_90, %add3A_60 : vector<288x128xf32>
    %jit3A_92 = arith.constant 0.000000e+00 : f32
    %broadcast_in_dim3A_93 = vector.broadcast %jit3A_92 : f32 to vector<288x128xf32>
    %select_n3A_94 = arith.select %and3A_34, %div3A_91, %broadcast_in_dim3A_93 : vector<288x128xi1>, vector<288x128xf32>
    %swap3A_95 = arith.constant 1 : index
    %swap3A_96 = arith.constant 0 : index
    %swap3A_97 = arith.constant 0 : index
    %swap3A_98 = vector.load %arg3[%swap3A_95, %swap3A_96, %swap3A_97] : memref<4x288x128xf32, #tpu.memory_space<vmem>>, vector<1x288x128xf32>
    %swap3A_99 = vector.shape_cast %swap3A_98 : vector<1x288x128xf32> to vector<288x128xf32>
    %swap3A_100 = vector.shape_cast %select_n3A_94 : vector<288x128xf32> to vector<1x288x128xf32>
    tpu.vector_store %arg3[%swap3A_95, %swap3A_96, %swap3A_97], %swap3A_100 {strides = array<i32>} : memref<4x288x128xf32, #tpu.memory_space<vmem>>, vector<1x288x128xf32>,
    %div3A_101 = arith.divf %add3A_71, %add3A_56 : vector<288x128xf32>
    %log3A = math.log %div3A_101 : vector<288x128xf32>
    %jit3A_102 = arith.constant 0.000000e+00 : f32
    %broadcast_in_dim3A_103 = vector.broadcast %jit3A_102 : f32 to vector<288x128xf32>
    %select_n3A_104 = arith.select %and3A_34, %log3A, %broadcast_in_dim3A_103 : vector<288x128xi1>, vector<288x128xf32>
    %swap3A_105 = arith.constant 2 : index
    %swap3A_106 = arith.constant 0 : index
    %swap3A_107 = arith.constant 0 : index
    %swap3A_108 = vector.load %arg3[%swap3A_105, %swap3A_106, %swap3A_107] : memref<4x288x128xf32, #tpu.memory_space<vmem>>, vector<1x288x128xf32>
    %swap3A_109 = vector.shape_cast %swap3A_108 : vector<1x288x128xf32> to vector<288x128xf32>
    %swap3A_110 = vector.shape_cast %select_n3A_104 : vector<288x128xf32> to vector<1x288x128xf32>
    tpu.vector_store %arg3[%swap3A_105, %swap3A_106, %swap3A_107], %swap3A_110 {strides = array<i32>} : memref<4x288x128xf32, #tpu.memory_space<vmem>>, vector<1x288x128xf32>,
    %div3A_111 = arith.divf %add3A_75, %add3A_60 : vector<288x128xf32>
    %log3A_112 = math.log %div3A_111 : vector<288x128xf32>
    %jit3A_113 = arith.constant 0.000000e+00 : f32
    %broadcast_in_dim3A_114 = vector.broadcast %jit3A_113 : f32 to vector<288x128xf32>
    %select_n3A_115 = arith.select %and3A_34, %log3A_112, %broadcast_in_dim3A_114 : vector<288x128xi1>, vector<288x128xf32>
    %swap3A_116 = arith.constant 3 : index
    %swap3A_117 = arith.constant 0 : index
    %swap3A_118 = arith.constant 0 : index
    %swap3A_119 = vector.load %arg3[%swap3A_116, %swap3A_117, %swap3A_118] : memref<4x288x128xf32, #tpu.memory_space<vmem>>, vector<1x288x128xf32>
    %swap3A_120 = vector.shape_cast %swap3A_119 : vector<1x288x128xf32> to vector<288x128xf32>
    %swap3A_121 = vector.shape_cast %select_n3A_115 : vector<288x128xf32> to vector<1x288x128xf32>
    tpu.vector_store %arg3[%swap3A_116, %swap3A_117, %swap3A_118], %swap3A_121 {strides = array<i32>} : memref<4x288x128xf32, #tpu.memory_space<vmem>>, vector<1x288x128xf32>,
    return
  }
}

</mosaic_0001>

<sc_bundles>
// kernel: kernel.5.cloned.1.call-start
scs
__scs_entry_jumppad:
0x0: {  	(pc) =	sbr.rel $0x88, $3  }
0x1: {  	(tag) =	ssettag $0x0;
	lr =	simm.s32 $0x1  }
0x2: {  	[smem:$0x3F9F] =	sst lr;
	_ =	strace $0xD0000000  }
0x3: {  	_ = 	snop  }
0x4: {  	_ = 	snop  }
0x5: {  	_ = 	snop  }
0x6: {  	_ = 	snop  }
0x7: {  	_ = 	snop  }
__scs_overlays_trampoline_lowered:
0x8: {  	[smem:$0x3FAE] =	sst s0  }
0x9: {  	[smem:$0x3FAF] =	sst s1  }
0xa: {  	[smem:$0x3FB0] =	sst s2  }
0xb: {  	[smem:$0x3FB1] =	sst s3  }
0xc: {  	[smem:$0x3FB2] =	sst s4  }
0xd: {  	[smem:$0x3FB3] =	sst s5  }
0xe: {  	[smem:$0x3FB4] =	sst s6  }
0xf: {  	[smem:$0x3FB5] =	sst s7  }
0x10: {  	[smem:$0x3FB6] =	sst s8  }
0x11: {  	[smem:$0x3FB7] =	sst s9;
	s0 =	simm.s32 @!p0 $0x0  }
0x12: {  	s1 =	sld [smem:$0x3F9D];
	s0 =	simm.s32 @p0 $0x1  }
0x13: {  	[smem:$0x3FB8] =	sst s0;
	s0 =	simm.s32 @!p1 $0x0  }
0x14: {  	s2 =	sld [smem:$0x3F9C];
	s0 =	simm.s32 @p1 $0x1  }
0x15: {  	[smem:$0x3FB9] =	sst s0;
	s0 =	simm.s32 @!p2 $0x0  }
0x16: {  	s3 =	sld [smem:$0x3FDB];
	s0 =	simm.s32 @p2 $0x1  }
0x17: {  	s4 =	simm.s32 $0x1BF5;
	[smem:$0x3FBB] =	sst s0  }
0x18: {  	s0 =	sld [smem:$0x3F9E];
	_ =	swait.ge [sflag:s4], $0x0  }
0x19: {  	s7 =	sld [smem:$0x3F9F]  }
0x1a: {  	s8 =	sadd.s32 $0xFFFFE003, lr  }
0x1b: {  	s9 =	sadd.s32 $0xFFFFFEF7, lr;
	s5 =	simm.s32 $0xFFFFFFFF;
	p2 =	slt.u32 s8, $0xFFFFF086  }
0x1c: {  	p1 =	slt.u32 s9, $0xF7A;
	s5 =	simm.s32 @!p2 $0x0  }
0x1d: {  	s5 =	simm.s32 @p1 $0x1;
	p0 =	seq.s32 s7, s2  }
0x1e: {  	s7 =	smul.u32 @!p0 $0xF7A, s2;
	p2 =	seq.s32 @!p0 s5, $0x0  }
0x1f: {  	s9 =	smul.u32 $0xF7A, s1;
	s8 =	simm.s32 @!p0 $0x1BF5;
	p2 =	por !p2, p0  }
0x20: {  	[sflag:s8] =	ssyncset.s32 @!p0 $0xFFFFF086;
	s6 =	sadd.s32 @!p0 s3, s7;
	s7 =	simm.s32 @!p0 $0x108  }
0x21: {  	s3 =	sadd.s32 s3, s9;
	s6 =	sadd.s32 @!p0 $0x88, s6;
	s7 =	simm.s32 @p2 $0x1082  }
0x22: {  	[simem:s7], [sflag:s8] =	dma.local @!p0 [hbm:s6], $0xF7A  }
0x23: {  	s9 =	sor.u32 $0xD0000000, s2;
	s6 =	simm.s32 $0x108;
	_ =	swait.ge @!p0 [sflag:s8], $0x0  }
0x24: {  	s3 =	sadd.s32 $0x88, s3;
	s6 =	simm.s32 @!p1 $0x1082;
	[sflag:s4] =	ssyncset.s32 $0xFFFFF086  }
0x25: {  	[simem:s6], [sflag:s4] =	dma.local [hbm:s3], $0xF7A  }
0x26: {  	[smem:$0x3F9F] =	sst s1;
	(tag) =	ssettag s2;
	_ =	strace s9  }
0x27: {  	s1 =	sld [smem:$0x3FAF]  }
0x28: {  	s2 =	sld [smem:$0x3FB0]  }
0x29: {  	s4 =	sld [smem:$0x3FB2]  }
0x2a: {  	p0 =	seq.s32 s5, $0x0;
	s5 =	sld [smem:$0x3FB3]  }
0x2b: {  	s6 =	sld [smem:$0x3FB4]  }
0x2c: {  	s7 =	sld [smem:$0x3FB5]  }
0x2d: {  	s3 =	simm.s32 $0x108;
	s8 =	sld [smem:$0x3FB6]  }
0x2e: {  	s3 =	simm.s32 @!p0 $0x1082;
	s9 =	sld [smem:$0x3FB7]  }
0x2f: {  	lr =	sadd.s32 s0, s3;
	s0 =	sld [smem:$0x3FAE]  }
0x30: {  	s3 =	sld [smem:$0x3FB1]  }
0x31: {  	[smem:$0x3FBA] =	sst s10  }
0x32: {  	s10 =	sld [smem:$0x3FB8];
	_ =	sdelay $0x3  }
0x33: {  	p0 =	seq.s32 s10, $0x1;
	s10 =	sld [smem:$0x3FBA];
	_ =	sdelay $0x3  }
0x34: {  	[smem:$0x3FBA] =	sst s10  }
0x35: {  	s10 =	sld [smem:$0x3FB9];
	_ =	sdelay $0x3  }
0x36: {  	p1 =	seq.s32 s10, $0x1;
	s10 =	sld [smem:$0x3FBA];
	_ =	sdelay $0x3  }
0x37: {  	[smem:$0x3FBA] =	sst s10  }
0x38: {  	s10 =	sld [smem:$0x3FBB]  }
0x39: {  	_ = 	snop;
	(pc) =	sbr.ind lr, $3  }
0x3a: {  	_ = 	snop  }
0x3b: {  	_ = 	snop  }
0x3c: {  	p2 =	seq.s32 s10, $0x1;
	s10 =	sld [smem:$0x3FBA]  }
0x3d: {  	_ =	shalt  }
0x3e: {  	_ =	shalt  }
0x3f: {  	_ =	shalt  }
0x40: {  	_ =	shalt  }
0x41: {  	_ =	shalt  }
0x42: {  	_ =	shalt  }
0x43: {  	_ =	shalt  }
0x44: {  	_ =	shalt  }
0x45: {  	_ =	shalt  }
0x46: {  	_ =	shalt  }
0x47: {  	_ =	shalt  }
0x48: {  	_ =	shalt  }
0x49: {  	_ =	shalt  }
0x4a: {  	_ =	shalt  }
0x4b: {  	_ =	shalt  }
0x4c: {  	_ =	shalt  }
0x4d: {  	_ =	shalt  }
0x4e: {  	_ =	shalt  }
0x4f: {  	_ =	shalt  }
0x50: {  	_ =	shalt  }
0x51: {  	_ =	shalt  }
0x52: {  	_ =	shalt  }
0x53: {  	_ =	shalt  }
0x54: {  	_ =	shalt  }
0x55: {  	_ =	shalt  }
0x56: {  	_ =	shalt  }
0x57: {  	_ =	shalt  }
0x58: {  	_ =	shalt  }
0x59: {  	_ =	shalt  }
0x5a: {  	_ =	shalt  }
0x5b: {  	_ =	shalt  }
0x5c: {  	_ =	shalt  }
0x5d: {  	_ =	shalt  }
0x5e: {  	_ =	shalt  }
0x5f: {  	_ =	shalt  }
0x60: {  	_ =	shalt  }
0x61: {  	_ =	shalt  }
0x62: {  	_ =	shalt  }
0x63: {  	_ =	shalt  }
0x64: {  	_ =	shalt  }
0x65: {  	_ =	shalt  }
0x66: {  	_ =	shalt  }
0x67: {  	_ =	shalt  }
0x68: {  	_ =	shalt  }
0x69: {  	_ =	shalt  }
0x6a: {  	_ =	shalt  }
0x6b: {  	_ =	shalt  }
0x6c: {  	_ =	shalt  }
0x6d: {  	_ =	shalt  }
0x6e: {  	_ =	shalt  }
0x6f: {  	_ =	shalt  }
0x70: {  	_ =	shalt  }
0x71: {  	_ =	shalt  }
0x72: {  	_ =	shalt  }
0x73: {  	_ =	shalt  }
0x74: {  	_ =	shalt  }
0x75: {  	_ =	shalt  }
0x76: {  	_ =	shalt  }
0x77: {  	_ =	shalt  }
0x78: {  	_ =	shalt  }
0x79: {  	_ =	shalt  }
0x7a: {  	_ =	shalt  }
0x7b: {  	_ =	shalt  }
0x7c: {  	_ =	shalt  }
0x7d: {  	_ =	shalt  }
0x7e: {  	_ =	shalt  }
0x7f: {  	_ =	shalt  }
0x80: {  	_ =	shalt  }
0x81: {  	_ =	shalt  }
0x82: {  	_ =	shalt  }
0x83: {  	_ =	shalt  }
0x84: {  	_ =	shalt  }
0x85: {  	_ =	shalt  }
0x86: {  	_ =	shalt  }
0x87: {  	_ =	shalt  }
.Lfunc_end0:
.L_simem_size_0:
called_computation_lowered:
.L_overlay_start_0:
0x88: {  	s2 =	sld [smem:$0x3FD9]  }
0x89: {  	s3 =	sld [smem:$0x3FFE];
	_ =	sdelay $0x1  }
0x8a: {  	s1 =	srdreg.scid  }
0x8b: {  	s0 =	sand.u32 $0x1, s1  }
0x8c: {  	s14 =	sshll.u32 s0, $0xA;
	s2 =	sadd.s32 s3, s2  }
0x8d: {  	s2 =	sadd.s32 s2, s14  }
0x8e: {  	[smem:$0x3FC6] =	sst s2  }
0x8f: {  	_ = 	snop  }
0x90: {  	s2 =	sld [smem:$0x3FD0];
	_ =	sdelay $0x2  }
0x91: {  	s15 =	simm.s32 $0xA;
	s4 =	simm.s32 $0x10  }
0x92: {  	[smem:s4], [sflag:s15] =	dma.local [hbm:s2], $0x1  }
0x93: {  	_ =	swait.eq [sflag:s15], $0x1  }
0x94: {  	[sflag:s15] =	ssyncset.done $0x0  }
0x95: {  	[sflag:s15] =	ssyncadd.s32 $0xFFFFFFFF  }
0x96: {  	s16 =	sld [smem:$0x11];
	(tm) =	ssettm $0x1  }
0x97: {  	s17 =	sld [smem:$0x3FFB];
	_ =	sdelay $0x3  }
0x98: {  	_ =	strace s17  }
0x99: {  	s3 =	sld [smem:$0x3FFC];
	_ =	sdelay $0x3  }
0x9a: {  	_ =	strace s3  }
0x9b: {  	s3 =	sld [smem:$0x3FFD];
	_ =	sdelay $0x3  }
0x9c: {  	_ =	strace s3  }
0x9d: {  	_ =	strace $0x8FFFFFFF  }
0x9e: {  	s18 =	sld [smem:$0x3FDB];
	_ =	sdelay $0x1  }
0x9f: {  	s19 =	simm.s32 $_scs_section_size  }
0xa0: {  	s5 =	simm.s32 $_size__tile_overlayer_lowered;
	s6 =	simm.s32 $_tile_overlayer_lowered  }
0xa1: {  	s22 =	simm.s32 $0x1BFF;
	s21 =	sshll.u32 s6, $0x1;
	s3 =	sadd.s32 s19, s18  }
0xa2: {  	s7 =	simm.s32 $0x0;
	s20 =	sshll.u32 s5, $0x1;
	s5 =	sadd.s32 s21, s3  }
0xa3: {  	[timem:s7], [sflag:s22] =	dma.local [hbm:s5], s20  }
0xa4: {  	_ =	swait.ge [sflag:s22], s20  }
0xa5: {  	s4 =	ssub.s32 $0x0, s20;
	[sflag:s22] =	ssyncset.done $0x0  }
0xa6: {  	[sflag:s22] =	ssyncadd.s32 s4;
	_ =	sdelay $0x1  }
0xa7: {  	s23 =	simm.s32 $0x1B8B  }
0xa8: {  	_ =	swait.ge [sflag:s23], $0x1  }
0xa9: {  	[sflag:s23] =	ssyncset.done $0x0  }
0xaa: {  	s25 =	simm.s32 $0x1B8E;
	s24 =	sld [smem:$0x3FFE];
	[sflag:s23] =	ssyncadd.s32 $0xFFFFFFFF  }
0xab: {  	s26 =	simm.s32 $execute0_lowered;
	[smem:$0x3FD2] =	sst s25  }
0xac: {  	s5 =	sshll.u32 s26, $0x1;
	_ =	strace $0x80000046;
	[dreg:$0x1] =	wrdreg $0xFFFFFFFF  }
0xad: {  	s28 =	simm.s32 $_size_execute0_lowered;
	s3 =	sadd.s32 s3, s5;
	[dreg:$0x0] =	wrdreg $0x0  }
0xae: {  	s5 =	sshll.u32 s28, $0x1;
	[dreg:$0x2] =	wrdreg s3  }
0xaf: {  	[dreg:$0x3] =	wrdreg s5  }
0xb0: {  	[dreg:$0x4] =	wrdreg $0xC0  }
0xb1: {  	_ =	task [dreg:s7], $0x5FFFF  }
0xb2: {  	[dreg:$0x1] =	wrdreg $0xFFFFFFFF  }
0xb3: {  	[dreg:$0x0] =	wrdreg $0x60  }
0xb4: {  	[dreg:$0x2] =	wrdreg s24  }
0xb5: {  	[dreg:$0x3] =	wrdreg s16  }
0xb6: {  	[dreg:$0x4] =	wrdreg $0x9  }
0xb7: {  	_ =	task.clear_ibuf [dreg:s7], $0x5FFFF;
	_ =	strace $0x90000046  }
0xb8: {  	s29 =	simm.s32 $0x9;
	_ =	strace $0x80000048  }
0xb9: {  	_ =	swait.ge [sflag:s29], $0x1  }
0xba: {  	[sflag:s29] =	ssyncadd.s32 $0xFFFFFFFF  }
0xbb: {  	_ =	strace $0x90000048  }
0xbc: {  	_ =	sfence  }
0xbd: {  	s30 =	sld [smem:$0x0];
	_ =	sdelay $0x2  }
0xbe: {  	s31 =	sshll.u32 s1, $0xD;
	s1 =	sshrl.u32 s1, $0x2  }
0xbf: {  	s3 =	sand.u32 $0x4000, s31;
	s1 =	sadd.s32 s1, s30  }
0xc0: {  	s0 =	sor.u32 s3, s0;
	s1 =	sshll.u32 s1, $0x11  }
0xc1: {  	s0 =	sor.u32 s1, s0  }
0xc2: {  	s0 =	sadd.s32 $0x8F2B, s0  }
0xc3: {  	[sflag:s0] =	ssyncadd.remote.s32 $0x1  }
0xc4: {  	_ =	sfence.sel $0xFFFF  }
0xc5: {  	[dreg:$0x0] =	wrdreg $0xFFFFFFFF;
	(pc) =	sbr.abs _section_cstart, $3  }
0xc6: {  	[dreg:$0x1] =	wrdreg $0xFFFFFFFF  }
0xc7: {  	_ =	task.clear_ibuf [dreg:s7], $0x2FFFF;
	_ =	strace $0x9FFFFFFF  }
0xc8: {  	(tm) =	ssettm $0x7FFFFFFF  }
0xc9: {  	_ =	shalt  }
tec
execute0_lowered:
.L_overlay_start_1:
0x0: {  	(tag) =	ssettag $0x1  }
0x1: {  	s6 =	rddreg [dreg:$0x0];
	s1 =	srdreg.scid  }
0x2: {  	s0 =	stileid.u32;
	s11 =	rddreg [dreg:$0x1]  }
0x3: {  	s15 =	simm.s32 $0x1;
	s16 =	simm.s32 $0x480;
	s17 =	simm.s32 $0x500  }
0x4: {  	s18 =	simm.s32 $0x580;
	s19 =	simm.s32 $0x600;
	s20 =	simm.s32 $0x680  }
0x5: {  	s21 =	simm.s32 $0xB00;
	s22 =	simm.s32 $0xF80;
	s23 =	simm.s32 $0x1400  }
0x6: {  	s24 =	simm.s32 $0x0;
	s3 =	sand.u32 $0x1, s1;
	s26 =	sshrl.u32 s0, $0x2  }
0x7: {  	s2 =	sshll.u32 s0, $0x8;
	s1 =	rddreg [dreg:$0x2];
	s4 =	smul.u32 $0x2400, s26  }
0x8: {  	s28 =	sshll.u32 s3, $0x7;
	s2 =	sand.u32 $0x300, s2;
	s10 =	ssub.s32 $0x2, s3  }
0x9: {  	s3 =	sadd.s32 $0xC00, s6;
	s5 =	sor.u32 s28, s2;
	s2 =	simm.s32 $0x0  }
0xa: {  	s12 =	sshrl.u32 s10, $0x1;
	s9 =	sor.u32 s4, s5;
	[smem:$0x7FF] =	sst s2  }
0xb: {  	s4 =	sadd.s32 $0xE00, s6;
	s5 =	sadd.s32 $0x1000, s6;
	s12 =	ssub.s32 s10, s12  }
0xc: {  	s8 =	sshrl.u32 s9, $0x3;
	_ =	strace $0x80000047;
	s29 =	sadd.s32 $0x9000, s9  }
0xd: {  	s13 =	sadd.s32 $0x12000, s9;
	s14 =	sadd.s32 $0x1B000, s9;
	s12 =	smax.u32 s12, $0x1  }
0xe: {  	s7 =	sadd.s32 s8, s6;
	s6 =	sadd.s32 $0xA00, s6;
	s8 =	sadd.s32 s11, s8  }
0xf: {  	s10 =	sshrl.u32 s29, $0x3;
	s30 =	sshrl.u32 s13, $0x3;
	s31 =	sshrl.u32 s14, $0x3  }
0x10: {  	s13 =	simm.s32 $0x80;
	s14 =	simm.s32 $0x400;
	s7 =	sadd.s32 $0x1200, s7  }
0x11: {  	s9 =	sadd.s32 s11, s10;
	s10 =	sadd.s32 s11, s30;
	s11 =	sadd.s32 s11, s31  }
.LBB2_1:
0x12: {  	[tilespmem:s2], [sflag:$0x1] =	stream.strided.gather [hbm4b:s7+s13], $0x480, s14, s13, $0x38;
	[tilespmem:$0x1880] =	vst v63  }
0x13: {  	_ =	swait.ge [sflag:s15], $0x480  }
0x14: {  	[sflag:s15] =	ssyncset.done $0x0  }
0x15: {  	[sflag:s15] =	ssyncadd.s32 $0xFFFFFB80  }
0x16: {  	[tilespmem:s16], [sflag:$0x1] =	stream.linear.gather [hbm4b:s3+s2], $0x80, $0x38;
	[tilespmem:$0x1880] =	vst v63  }
0x17: {  	_ =	swait.ge [sflag:s15], $0x80  }
0x18: {  	[sflag:s15] =	ssyncset.done $0x0  }
0x19: {  	[sflag:s15] =	ssyncadd.s32 $0xFFFFFF80  }
0x1a: {  	[tilespmem:s17], [sflag:$0x1] =	stream.linear.gather [hbm4b:s4+s2], $0x80, $0x38;
	[tilespmem:$0x1880] =	vst v63  }
0x1b: {  	_ =	swait.ge [sflag:s15], $0x80  }
0x1c: {  	[sflag:s15] =	ssyncset.done $0x0  }
0x1d: {  	[sflag:s15] =	ssyncadd.s32 $0xFFFFFF80  }
0x1e: {  	[tilespmem:s18], [sflag:$0x1] =	stream.linear.gather [hbm4b:s5+s2], $0x80, $0x38;
	[tilespmem:$0x1880] =	vst v63  }
0x1f: {  	_ =	swait.ge [sflag:s15], $0x80  }
0x20: {  	[sflag:s15] =	ssyncset.done $0x0  }
0x21: {  	[sflag:s15] =	ssyncadd.s32 $0xFFFFFF80  }
0x22: {  	[tilespmem:s19], [sflag:$0x1] =	stream.linear.gather [hbm4b:s6+s2], $0x80, $0x38;
	[tilespmem:$0x1880] =	vst v63  }
0x23: {  	_ =	swait.ge [sflag:s15], $0x80  }
0x24: {  	[sflag:s15] =	ssyncset.done $0x0  }
0x25: {  	s25 =	simm.s32 $0x0;
	[sflag:s15] =	ssyncadd.s32 $0xFFFFFF80  }
0x26: {  	v0 =	vld [tilespmem:s25+$0x0];
	_ =	sdelay $0x2  }
0x27: {  	v1 =	vld [tilespmem:$0x480]  }
0x28: {  	v2 =	vld [tilespmem:$0x490]  }
0x29: {  	v3 =	vld [tilespmem:$0x4A0];
	v4 =	vand.u32 $0xFFFFFFF0, v0;
	v5 =	vand.u32 $0xF, v0  }
0x2a: {  	v6 =	vld [tilespmem:$0x4B0];
	vm3 =	vlt.u32 v0, $0x10;
	vm1 =	veq.s32 v4, $0x50;
	vm0 =	veq.s32 v4, $0x60  }
0x2b: {  	v7 =	vld [tilespmem:$0x4C0];
	v0 =	vnsel vm3, $0x0, v0;
	vm4 =	veq.s32 v4, $0x10;
	vm2 =	veq.s32 v4, $0x40  }
0x2c: {  	v9 =	vld [tilespmem:$0x4D0];
	vm5 =	veq.s32 v4, $0x20;
	v1 =	vperm.xlane v1, v0;
	v8 =	vnsel vm4, $0x0, v5  }
0x2d: {  	v10 =	vld [tilespmem:$0x4E0];
	vm6 =	veq.s32 v4, $0x30;
	v11 =	vnsel vm5, $0x0, v5;
	v2 =	vperm.xlane v2, v8  }
0x2e: {  	v4 =	vnsel vm6, $0x0, v5;
	v3 =	vperm.xlane v3, v11;
	v1 =	vnsel vm3, $0x0, v1  }
0x2f: {  	v53 =	vnsel vm2, $0x0, v5;
	v1 =	vsel vm4, v2, v1;
	v2 =	vperm.xlane v6, v4  }
0x30: {  	v54 =	vnsel vm1, $0x0, v5;
	v1 =	vsel vm5, v3, v1;
	v3 =	vperm.xlane v7, v53  }
0x31: {  	v5 =	vnsel vm0, $0x0, v5;
	v1 =	vsel vm6, v2, v1;
	v2 =	vperm.xlane v9, v54  }
0x32: {  	v1 =	vsel vm2, v3, v1;
	v3 =	vperm.xlane v10, v5  }
0x33: {  	v1 =	vsel vm1, v2, v1  }
0x34: {  	v1 =	vsel vm0, v3, v1  }
0x35: {  	[tilespmem:s25+$0x680] =	vst v1  }
0x36: {  	v1 =	vld [tilespmem:$0x500]  }
0x37: {  	v2 =	vld [tilespmem:$0x510]  }
0x38: {  	v3 =	vld [tilespmem:$0x520]  }
0x39: {  	v55 =	vld [tilespmem:$0x530]  }
0x3a: {  	v56 =	vld [tilespmem:$0x540]  }
0x3b: {  	v12 =	vld [tilespmem:$0x550];
	v1 =	vperm.xlane v1, v0  }
0x3c: {  	v13 =	vld [tilespmem:$0x560];
	v2 =	vperm.xlane v2, v8  }
0x3d: {  	v3 =	vperm.xlane v3, v11;
	v1 =	vnsel vm3, $0x0, v1  }
0x3e: {  	v1 =	vsel vm4, v2, v1;
	v2 =	vperm.xlane v55, v4  }
0x3f: {  	v1 =	vsel vm5, v3, v1;
	v3 =	vperm.xlane v56, v53  }
0x40: {  	v1 =	vsel vm6, v2, v1;
	v2 =	vperm.xlane v12, v54  }
0x41: {  	v1 =	vsel vm2, v3, v1;
	v3 =	vperm.xlane v13, v5  }
0x42: {  	v1 =	vsel vm1, v2, v1  }
0x43: {  	v1 =	vsel vm0, v3, v1  }
0x44: {  	[tilespmem:s25+$0xB00] =	vst v1  }
0x45: {  	v1 =	vld [tilespmem:$0x580]  }
0x46: {  	v2 =	vld [tilespmem:$0x590]  }
0x47: {  	v3 =	vld [tilespmem:$0x5A0]  }
0x48: {  	v57 =	vld [tilespmem:$0x5B0]  }
0x49: {  	v58 =	vld [tilespmem:$0x5C0]  }
0x4a: {  	v59 =	vld [tilespmem:$0x5D0];
	v1 =	vperm.xlane v1, v0  }
0x4b: {  	v60 =	vld [tilespmem:$0x5E0];
	v2 =	vperm.xlane v2, v8  }
0x4c: {  	v3 =	vperm.xlane v3, v11;
	v1 =	vnsel vm3, $0x0, v1  }
0x4d: {  	v1 =	vsel vm4, v2, v1;
	v2 =	vperm.xlane v57, v4  }
0x4e: {  	v1 =	vsel vm5, v3, v1;
	v3 =	vperm.xlane v58, v53  }
0x4f: {  	v1 =	vsel vm6, v2, v1;
	v2 =	vperm.xlane v59, v54  }
0x50: {  	v1 =	vsel vm2, v3, v1;
	v3 =	vperm.xlane v60, v5  }
0x51: {  	v1 =	vsel vm1, v2, v1  }
0x52: {  	v1 =	vsel vm0, v3, v1  }
0x53: {  	[tilespmem:s25+$0xF80] =	vst v1  }
0x54: {  	v1 =	vld [tilespmem:$0x600]  }
0x55: {  	v2 =	vld [tilespmem:$0x610]  }
0x56: {  	v3 =	vld [tilespmem:$0x620]  }
0x57: {  	v61 =	vld [tilespmem:$0x630]  }
0x58: {  	v62 =	vld [tilespmem:$0x640]  }
0x59: {  	v0 =	vperm.xlane v1, v0;
	v1 =	vld [tilespmem:$0x650]  }
0x5a: {  	v63 =	vld [tilespmem:$0x660];
	v2 =	vperm.xlane v2, v8  }
0x5b: {  	v3 =	vperm.xlane v3, v11;
	v0 =	vnsel vm3, $0x0, v0  }
0x5c: {  	v0 =	vsel vm4, v2, v0;
	v2 =	vperm.xlane v61, v4  }
0x5d: {  	v0 =	vsel vm5, v3, v0;
	v3 =	vperm.xlane v62, v53  }
0x5e: {  	v0 =	vsel vm6, v2, v0;
	v1 =	vperm.xlane v1, v54  }
0x5f: {  	v2 =	vperm.xlane v63, v5;
	v0 =	vsel vm2, v3, v0  }
0x60: {  	s28 =	simm.s32 $0x10;
	v1 =	vsel vm1, v1, v0  }
0x61: {  	s26 =	simm.s32 $0x80;
	v0 =	vld [tilespmem:s28+$0x0];
	v1 =	vsel vm0, v2, v1  }
.LBB2_2:
0x62: {  	p0 =	sne.s32 s26, $0x11C0;
	[tilespmem:s25+$0x1400] =	vst v1;
	s25 =	smov.u32 s28  }
0x63: {  	v1 =	vld [tilespmem:$0x480]  }
0x64: {  	v2 =	vld [tilespmem:$0x490]  }
0x65: {  	v3 =	vld [tilespmem:$0x4A0]  }
0x66: {  	v4 =	vand.u32 $0xFFFFFFF0, v0;
	v5 =	vand.u32 $0xF, v0;
	v6 =	vld [tilespmem:$0x4B0]  }
0x67: {  	vm3 =	vlt.u32 v0, $0x10;
	v7 =	vld [tilespmem:$0x4C0];
	vm1 =	veq.s32 v4, $0x50;
	vm0 =	veq.s32 v4, $0x60  }
0x68: {  	v0 =	vnsel vm3, $0x0, v0;
	vm4 =	veq.s32 v4, $0x10;
	vm2 =	veq.s32 v4, $0x40;
	v8 =	vld [tilespmem:$0x4E0]  }
0x69: {  	vm5 =	veq.s32 v4, $0x20;
	v1 =	vperm.xlane v1, v0;
	v9 =	vnsel vm4, $0x0, v5;
	v10 =	vld [tilespmem:$0x4D0]  }
0x6a: {  	vm6 =	veq.s32 v4, $0x30;
	v11 =	vnsel vm5, $0x0, v5;
	v2 =	vperm.xlane v2, v9  }
0x6b: {  	v4 =	vnsel vm6, $0x0, v5;
	v1 =	vnsel vm3, $0x0, v1;
	v3 =	vperm.xlane v3, v11  }
0x6c: {  	v1 =	vsel vm4, v2, v1;
	v2 =	vperm.xlane v6, v4;
	v6 =	vnsel vm2, $0x0, v5  }
0x6d: {  	v1 =	vsel vm5, v3, v1;
	v3 =	vperm.xlane v7, v6;
	v7 =	vnsel vm1, $0x0, v5  }
0x6e: {  	v5 =	vnsel vm0, $0x0, v5;
	v1 =	vsel vm6, v2, v1;
	v2 =	vperm.xlane v10, v7  }
0x6f: {  	v1 =	vsel vm2, v3, v1;
	v3 =	vperm.xlane v8, v5  }
0x70: {  	v1 =	vsel vm1, v2, v1  }
0x71: {  	v1 =	vsel vm0, v3, v1  }
0x72: {  	[tilespmem:s25+$0x680] =	vst v1  }
0x73: {  	v1 =	vld [tilespmem:$0x500]  }
0x74: {  	v2 =	vld [tilespmem:$0x510]  }
0x75: {  	v3 =	vld [tilespmem:$0x520]  }
0x76: {  	v8 =	vld [tilespmem:$0x530]  }
0x77: {  	v10 =	vld [tilespmem:$0x540]  }
0x78: {  	v1 =	vperm.xlane v1, v0;
	v12 =	vld [tilespmem:$0x550]  }
0x79: {  	v2 =	vperm.xlane v2, v9;
	v13 =	vld [tilespmem:$0x560]  }
0x7a: {  	v1 =	vnsel vm3, $0x0, v1;
	v3 =	vperm.xlane v3, v11  }
0x7b: {  	v1 =	vsel vm4, v2, v1;
	v2 =	vperm.xlane v8, v4  }
0x7c: {  	v1 =	vsel vm5, v3, v1;
	v3 =	vperm.xlane v10, v6  }
0x7d: {  	v1 =	vsel vm6, v2, v1;
	v2 =	vperm.xlane v12, v7  }
0x7e: {  	v1 =	vsel vm2, v3, v1;
	v3 =	vperm.xlane v13, v5  }
0x7f: {  	v1 =	vsel vm1, v2, v1  }
0x80: {  	v1 =	vsel vm0, v3, v1  }
0x81: {  	[tilespmem:s25+$0xB00] =	vst v1  }
0x82: {  	v1 =	vld [tilespmem:$0x580]  }
0x83: {  	v2 =	vld [tilespmem:$0x590]  }
0x84: {  	v3 =	vld [tilespmem:$0x5A0]  }
0x85: {  	v8 =	vld [tilespmem:$0x5B0]  }
0x86: {  	v10 =	vld [tilespmem:$0x5C0]  }
0x87: {  	v1 =	vperm.xlane v1, v0;
	v12 =	vld [tilespmem:$0x5D0]  }
0x88: {  	v2 =	vperm.xlane v2, v9;
	v13 =	vld [tilespmem:$0x5E0]  }
0x89: {  	v1 =	vnsel vm3, $0x0, v1;
	v3 =	vperm.xlane v3, v11  }
0x8a: {  	v1 =	vsel vm4, v2, v1;
	v2 =	vperm.xlane v8, v4  }
0x8b: {  	v1 =	vsel vm5, v3, v1;
	v3 =	vperm.xlane v10, v6  }
0x8c: {  	v1 =	vsel vm6, v2, v1;
	v2 =	vperm.xlane v12, v7  }
0x8d: {  	v1 =	vsel vm2, v3, v1;
	v3 =	vperm.xlane v13, v5  }
0x8e: {  	v1 =	vsel vm1, v2, v1  }
0x8f: {  	v1 =	vsel vm0, v3, v1  }
0x90: {  	[tilespmem:s25+$0xF80] =	vst v1  }
0x91: {  	v1 =	vld [tilespmem:$0x600]  }
0x92: {  	v2 =	vld [tilespmem:$0x610]  }
0x93: {  	v3 =	vld [tilespmem:$0x620]  }
0x94: {  	v8 =	vld [tilespmem:$0x630]  }
0x95: {  	v10 =	vld [tilespmem:$0x640]  }
0x96: {  	v0 =	vperm.xlane v1, v0;
	v1 =	vld [tilespmem:$0x650]  }
0x97: {  	v2 =	vperm.xlane v2, v9;
	v9 =	vld [tilespmem:$0x660]  }
0x98: {  	v0 =	vnsel vm3, $0x0, v0;
	v3 =	vperm.xlane v3, v11  }
0x99: {  	v0 =	vsel vm4, v2, v0;
	v2 =	vperm.xlane v8, v4  }
.Ltmp0:
0x9a: {  	v0 =	vsel vm5, v3, v0;
	v3 =	vperm.xlane v10, v6;
	(pc) =	sbr.rel @p0 .LBB2_2-.Ltmp0, $4  }
0x9b: {  	v0 =	vsel vm6, v2, v0;
	v1 =	vperm.xlane v1, v7  }
0x9c: {  	v0 =	vsel vm2, v3, v0;
	v2 =	vperm.xlane v9, v5  }
0x9d: {  	s28 =	sshra.s32 s26, $0x2;
	v1 =	vsel vm1, v1, v0  }
0x9e: {  	s26 =	sadd.s32 $0x40, s26;
	v0 =	vld [tilespmem:s28+$0x0];
	v1 =	vsel vm0, v2, v1  }
0x9f: {  	_ = 	snop  }
0xa0: {  	[tilespmem:s25+$0x1400] =	vst v1  }
0xa1: {  	v1 =	vld [tilespmem:$0x480]  }
0xa2: {  	v2 =	vld [tilespmem:$0x490]  }
0xa3: {  	v3 =	vld [tilespmem:$0x4A0];
	v4 =	vand.u32 $0xFFFFFFF0, v0;
	v5 =	vand.u32 $0xF, v0  }
0xa4: {  	v6 =	vld [tilespmem:$0x4B0];
	vm3 =	vlt.u32 v0, $0x10;
	vm0 =	veq.s32 v4, $0x50;
	vm1 =	veq.s32 v4, $0x60  }
0xa5: {  	v7 =	vld [tilespmem:$0x4C0];
	v0 =	vnsel vm3, $0x0, v0;
	vm4 =	veq.s32 v4, $0x10;
	vm2 =	veq.s32 v4, $0x40  }
0xa6: {  	v9 =	vld [tilespmem:$0x4D0];
	vm5 =	veq.s32 v4, $0x20;
	v1 =	vperm.xlane v1, v0;
	v8 =	vnsel vm4, $0x0, v5  }
0xa7: {  	v10 =	vld [tilespmem:$0x4E0];
	vm6 =	veq.s32 v4, $0x30;
	v11 =	vnsel vm5, $0x0, v5;
	v2 =	vperm.xlane v2, v8  }
0xa8: {  	v4 =	vnsel vm6, $0x0, v5;
	v3 =	vperm.xlane v3, v11;
	v1 =	vnsel vm3, $0x0, v1  }
0xa9: {  	v32 =	vnsel vm2, $0x0, v5;
	v31 =	vperm.xlane v6, v4;
	v1 =	vsel vm4, v2, v1  }
0xaa: {  	v34 =	vnsel vm0, $0x0, v5;
	v33 =	vperm.xlane v7, v32;
	v1 =	vsel vm5, v3, v1  }
0xab: {  	v5 =	vnsel vm1, $0x0, v5;
	v35 =	vperm.xlane v9, v34;
	v1 =	vsel vm6, v31, v1  }
0xac: {  	v36 =	vperm.xlane v10, v5;
	v1 =	vsel vm2, v33, v1  }
0xad: {  	v1 =	vsel vm0, v35, v1  }
0xae: {  	v1 =	vsel vm1, v36, v1  }
0xaf: {  	[tilespmem:s28+$0x680] =	vst v1  }
0xb0: {  	v1 =	vld [tilespmem:$0x500]  }
0xb1: {  	v37 =	vld [tilespmem:$0x510]  }
0xb2: {  	v38 =	vld [tilespmem:$0x520]  }
0xb3: {  	v39 =	vld [tilespmem:$0x530]  }
0xb4: {  	v40 =	vld [tilespmem:$0x540]  }
0xb5: {  	v12 =	vld [tilespmem:$0x550];
	v1 =	vperm.xlane v1, v0  }
0xb6: {  	v13 =	vld [tilespmem:$0x560];
	v2 =	vperm.xlane v37, v8  }
0xb7: {  	v3 =	vperm.xlane v38, v11;
	v1 =	vnsel vm3, $0x0, v1  }
0xb8: {  	v41 =	vperm.xlane v39, v4;
	v1 =	vsel vm4, v2, v1  }
0xb9: {  	v42 =	vperm.xlane v40, v32;
	v1 =	vsel vm5, v3, v1  }
0xba: {  	v43 =	vperm.xlane v12, v34;
	v1 =	vsel vm6, v41, v1  }
0xbb: {  	v44 =	vperm.xlane v13, v5;
	v1 =	vsel vm2, v42, v1  }
0xbc: {  	v1 =	vsel vm0, v43, v1  }
0xbd: {  	v1 =	vsel vm1, v44, v1  }
0xbe: {  	[tilespmem:s28+$0xB00] =	vst v1  }
0xbf: {  	v1 =	vld [tilespmem:$0x580]  }
0xc0: {  	v45 =	vld [tilespmem:$0x590]  }
0xc1: {  	v46 =	vld [tilespmem:$0x5A0]  }
0xc2: {  	v47 =	vld [tilespmem:$0x5B0]  }
0xc3: {  	v48 =	vld [tilespmem:$0x5C0]  }
0xc4: {  	v49 =	vld [tilespmem:$0x5D0];
	v1 =	vperm.xlane v1, v0  }
0xc5: {  	v50 =	vld [tilespmem:$0x5E0];
	v2 =	vperm.xlane v45, v8  }
0xc6: {  	v3 =	vperm.xlane v46, v11;
	v1 =	vnsel vm3, $0x0, v1  }
0xc7: {  	v51 =	vperm.xlane v47, v4;
	v1 =	vsel vm4, v2, v1  }
0xc8: {  	v52 =	vperm.xlane v48, v32;
	v1 =	vsel vm5, v3, v1  }
0xc9: {  	v53 =	vperm.xlane v49, v34;
	v1 =	vsel vm6, v51, v1  }
0xca: {  	v54 =	vperm.xlane v50, v5;
	v1 =	vsel vm2, v52, v1  }
0xcb: {  	v1 =	vsel vm0, v53, v1  }
0xcc: {  	v1 =	vsel vm1, v54, v1  }
0xcd: {  	[tilespmem:s28+$0xF80] =	vst v1  }
0xce: {  	v1 =	vld [tilespmem:$0x600]  }
0xcf: {  	v55 =	vld [tilespmem:$0x610]  }
0xd0: {  	v56 =	vld [tilespmem:$0x620]  }
0xd1: {  	v57 =	vld [tilespmem:$0x630]  }
0xd2: {  	v58 =	vld [tilespmem:$0x640]  }
0xd3: {  	v59 =	vld [tilespmem:$0x650];
	v0 =	vperm.xlane v1, v0  }
0xd4: {  	v60 =	vld [tilespmem:$0x660];
	v2 =	vperm.xlane v55, v8  }
0xd5: {  	v3 =	vperm.xlane v56, v11;
	v0 =	vnsel vm3, $0x0, v0  }
0xd6: {  	v61 =	vperm.xlane v57, v4;
	v0 =	vsel vm4, v2, v0  }
0xd7: {  	v62 =	vperm.xlane v58, v32;
	v0 =	vsel vm5, v3, v0  }
0xd8: {  	v1 =	vperm.xlane v59, v34;
	v0 =	vsel vm6, v61, v0  }
0xd9: {  	v63 =	vperm.xlane v60, v5;
	v0 =	vsel vm2, v62, v0  }
0xda: {  	v0 =	vsel vm0, v1, v0  }
0xdb: {  	v0 =	vsel vm1, v63, v0  }
0xdc: {  	[tilespmem:s28+$0x1400] =	vst v0  }
0xdd: {  	[hbm4b:s8+s13] =	stream.strided.scatter [tilespmem:s20], [sflag:$0x1], $0x480, s14, s13, $0x38;
	[tilespmem:$0x1880] =	vst v63  }
0xde: {  	_ =	swait.ge [sflag:s15], $0x480  }
0xdf: {  	[sflag:s15] =	ssyncset.done $0x0  }
0xe0: {  	[sflag:s15] =	ssyncadd.s32 $0xFFFFFB80  }
0xe1: {  	[hbm4b:s9+s13] =	stream.strided.scatter [tilespmem:s21], [sflag:$0x1], $0x480, s14, s13, $0x38;
	[tilespmem:$0x1880] =	vst v63  }
0xe2: {  	_ =	swait.ge [sflag:s15], $0x480  }
0xe3: {  	[sflag:s15] =	ssyncset.done $0x0  }
0xe4: {  	[sflag:s15] =	ssyncadd.s32 $0xFFFFFB80  }
0xe5: {  	[hbm4b:s10+s13] =	stream.strided.scatter [tilespmem:s22], [sflag:$0x1], $0x480, s14, s13, $0x38;
	[tilespmem:$0x1880] =	vst v63  }
0xe6: {  	s24 =	sadd.s32 $0x1, s24;
	_ =	swait.ge [sflag:s15], $0x480  }
0xe7: {  	p0 =	sne.s32 s24, s12;
	[sflag:s15] =	ssyncset.done $0x0  }
.Ltmp1:
0xe8: {  	[sflag:s15] =	ssyncadd.s32 $0xFFFFFB80;
	(pc) =	sbr.rel @p0 .LBB2_1-.Ltmp1, $4  }
0xe9: {  	[hbm4b:s11+s13] =	stream.strided.scatter [tilespmem:s23], [sflag:$0x1], $0x480, s14, s13, $0x38;
	[tilespmem:$0x1880] =	vst v63  }
0xea: {  	_ =	swait.ge [sflag:s15], $0x480  }
0xeb: {  	[sflag:s15] =	ssyncset.done $0x0  }
0xec: {  	[sflag:s15] =	ssyncadd.s32 $0xFFFFFB80  }
0xed: {  	_ =	sfence.sel $0x180000  }
0xee: {  	[bflag:$0x0] =	sbarrier.arrive $0xFFFF  }
0xef: {  	p0 =	sne.s32 s0, $0x0;
	_ =	strace $0x90000047  }
0xf0: {  	s0 =	sadd.s32 @!p0 $0x100000, s1;
	[bflag:$0x2] =	sbarrier.arrive $0xFFFF  }
0xf1: {  	[sflag:s0] =	ssyncadd.tile.s32 @!p0 $0x1;
	_ =	shalt  }
.Lfunc_end2:
_tile_overlayer_lowered:
.L_overlay_start_2:
0xf2: {  	(tag) =	ssettag $0x2  }
0xf3: {  	s0 =	rddreg [dreg:$0x0];
	s2 =	stileid.u32  }
0xf4: {  	s1 =	rddreg [dreg:$0x1];
	p0 =	sne.s32 s2, $0x0  }
0xf5: {  	s3 =	rddreg [dreg:$0x2];
	[bflag:$0x3] =	sbarrier.arrive $0xFFFF;
	s2 =	simm.s32 @!p0 $0x1C01  }
0xf6: {  	[timem:s3], [sflag:s2] =	dma.local @!p0 [hbm:s0], s1  }
0xf7: {  	s0 =	simm.s32 @!p0 $0x1  }
0xf8: {  	_ =	swait.ge @!p0 [sflag:s0], s1  }
0xf9: {  	s1 =	ssub.s32 @!p0 $0x0, s1;
	[sflag:s0] =	ssyncset.done @!p0 $0x0  }
0xfa: {  	[sflag:s0] =	ssyncadd.s32 @!p0 s1  }
0xfb: {  	[bflag:$0x3] =	sbarrier.arrive $0xFFFF  }
0xfc: {  	_ =	shalt  }

</sc_bundles>
